<compile_context>
chip_gen: v7x
topology: tpu7x:2x2x1
jax: 0.10.2.dev20260603
libtpu: 0.0.44.dev20260713+nightly
codegen_flags: <defaults>
</compile_context>

<pallas_src>
import functools

import jax
import jax.numpy as jnp
from jax import lax
from jax.experimental import pallas as pl
from jax.experimental.pallas import tpu as pltpu
from jax.experimental.pallas import tpu_sc as plsc

N = 10000
E = 160000
IN_DIM = 16
OUT_DIM = 16
EDGE_DIM = 16

NC = 2
NS = 16
NW = NC * NS
EPW = 5120
E_PAD = EPW * NW
HALF = EPW // 2
N_SP = 10048
ZROWS = N_SP // NS
OROWS = N // NS

PK = 128 // IN_DIM
E8 = E // PK
E8_PAD = E_PAD // PK
N8 = N // PK
KD = PK * IN_DIM * OUT_DIM



def _sc_gather_body(node_hbm, idx_hbm, out_hbm, idx_v, rows_v, sem):
    c = lax.axis_index("c")
    s = lax.axis_index("s")
    wid = s * NC + c
    base = wid * EPW
    pltpu.sync_copy(idx_hbm.at[pl.ds(base, EPW)], idx_v)
    pltpu.async_copy(node_hbm.at[idx_v], rows_v, sem).wait()
    pltpu.sync_copy(rows_v, out_hbm.at[pl.ds(base, EPW)])


@functools.lru_cache(maxsize=None)
def _sc_gather():
    mesh = plsc.VectorSubcoreMesh(
        core_axis_name="c", subcore_axis_name="s", num_cores=NC, num_subcores=NS
    )
    return pl.kernel(
        _sc_gather_body,
        out_type=jax.ShapeDtypeStruct((E_PAD, IN_DIM), jnp.float32),
        mesh=mesh,
        compiler_params=pltpu.CompilerParams(use_tc_tiling_on_sc=False),
        scratch_types=[
            pltpu.VMEM((EPW,), jnp.int32),
            pltpu.VMEM((EPW, IN_DIM), jnp.float32),
            pltpu.SemaphoreType.DMA,
        ],
    )



def _sc_scatter_body(msg_hbm, idx_hbm, zeros_hbm, ones_hbm, agg_out, cnt_out,
                     idx_a, idx_b, val_v, ones_v, agg_sh, cnt_sh):
    c = lax.axis_index("c")
    s = lax.axis_index("s")
    wid = s * NC + c
    base = wid * EPW

    pltpu.sync_copy(zeros_hbm, agg_sh.at[pl.ds(s * ZROWS, ZROWS)])
    pltpu.sync_copy(zeros_hbm, cnt_sh.at[pl.ds(s * ZROWS, ZROWS)])
    pltpu.sync_copy(idx_hbm.at[pl.ds(base, HALF)], idx_a)
    pltpu.sync_copy(idx_hbm.at[pl.ds(base + HALF, HALF)], idx_b)
    pltpu.sync_copy(ones_hbm, ones_v)
    plsc.subcore_barrier()

    pltpu.sync_copy(msg_hbm.at[pl.ds(base, HALF)], val_v)
    pltpu.sync_copy(val_v, agg_sh.at[idx_a], add=True)
    pltpu.sync_copy(msg_hbm.at[pl.ds(base + HALF, HALF)], val_v)
    pltpu.sync_copy(val_v, agg_sh.at[idx_b], add=True)
    pltpu.sync_copy(ones_v, cnt_sh.at[idx_a], add=True)
    pltpu.sync_copy(ones_v, cnt_sh.at[idx_b], add=True)
    plsc.subcore_barrier()

    pltpu.sync_copy(agg_sh.at[pl.ds(s * OROWS, OROWS)],
                    agg_out.at[c, pl.ds(s * OROWS, OROWS)])
    pltpu.sync_copy(cnt_sh.at[pl.ds(s * OROWS, OROWS)],
                    cnt_out.at[c, pl.ds(s * OROWS, OROWS)])


@functools.lru_cache(maxsize=None)
def _sc_scatter():
    mesh = plsc.VectorSubcoreMesh(
        core_axis_name="c", subcore_axis_name="s", num_cores=NC, num_subcores=NS
    )
    return pl.kernel(
        _sc_scatter_body,
        out_type=(
            jax.ShapeDtypeStruct((NC, N, OUT_DIM), jnp.float32),
            jax.ShapeDtypeStruct((NC, N, OUT_DIM), jnp.float32),
        ),
        mesh=mesh,
        compiler_params=pltpu.CompilerParams(use_tc_tiling_on_sc=False),
        scratch_types=[
            pltpu.VMEM((HALF,), jnp.int32),
            pltpu.VMEM((HALF,), jnp.int32),
            pltpu.VMEM((HALF, OUT_DIM), jnp.float32),
            pltpu.VMEM((HALF, OUT_DIM), jnp.float32),
            pltpu.VMEM_SHARED((N_SP, OUT_DIM), jnp.float32),
            pltpu.VMEM_SHARED((N_SP, OUT_DIM), jnp.float32),
        ],
    )



MSG_BLK8 = 400


def _msg_body(ef_ref, x_ref, w2_ref, b2_ref, r2_ref, s2_ref, out_ref):
    ef = ef_ref[...]
    x = x_ref[...]
    t = jnp.tanh(
        jnp.dot(ef, w2_ref[...], preferred_element_type=jnp.float32) + b2_ref[...]
    )
    xb = jnp.dot(x, r2_ref[...], preferred_element_type=jnp.float32)
    out_ref[...] = jnp.dot(xb * t, s2_ref[...], preferred_element_type=jnp.float32)


def _msg_call(ef_pk, x_pk, w2, b2, r2, s2):
    return pl.pallas_call(
        _msg_body,
        grid=(E8 // MSG_BLK8,),
        in_specs=[
            pl.BlockSpec((MSG_BLK8, 128), lambda i: (i, 0)),
            pl.BlockSpec((MSG_BLK8, 128), lambda i: (i, 0)),
            pl.BlockSpec((128, KD), lambda i: (0, 0)),
            pl.BlockSpec((1, KD), lambda i: (0, 0)),
            pl.BlockSpec((128, KD), lambda i: (0, 0)),
            pl.BlockSpec((KD, 128), lambda i: (0, 0)),
        ],
        out_specs=pl.BlockSpec((MSG_BLK8, 128), lambda i: (i, 0)),
        out_shape=jax.ShapeDtypeStruct((E8_PAD, 128), jnp.float32),
    )(ef_pk, x_pk, w2, b2, r2, s2)



def _final_body(nf_ref, agg_ref, cnt_ref, wr2_ref, m_ref, rb_ref, g_ref, b_ref,
                out_ref):
    nf = nf_ref[...]
    agg = agg_ref[0] + agg_ref[1]
    cnt = cnt_ref[0] + cnt_ref[1]
    agg = agg / jnp.maximum(cnt, 1.0)
    pre = (
        jnp.dot(nf, wr2_ref[...], preferred_element_type=jnp.float32)
        + agg
        + rb_ref[...]
    )
    csum = jnp.sum(pre, axis=0, keepdims=True)
    csq = jnp.sum(pre * pre, axis=0, keepdims=True)
    mu = jnp.dot(csum, m_ref[...], preferred_element_type=jnp.float32) / N
    musq = jnp.dot(csq, m_ref[...], preferred_element_type=jnp.float32) / N
    var = musq - mu * mu
    out = (pre - mu) / jnp.sqrt(var + 1e-5) * g_ref[...] + b_ref[...]
    out_ref[...] = jnp.where(out >= 0.0, out, 0.01 * out)


def _final_call(nf_pk, agg_pk, cnt_pk, wr2, m, rb, g, b):
    return pl.pallas_call(
        _final_body,
        out_shape=jax.ShapeDtypeStruct((N8, 128), jnp.float32),
    )(nf_pk, agg_pk, cnt_pk, wr2, m, rb, g, b)



def kernel(node_feat, edge_feat, edge_index, batch_index,
           num_sampled_nodes_per_hop, num_sampled_edges_per_hop,
           W_net, b_net, W_root, root_bias, bn_gamma, bn_beta):
    src = edge_index[0]
    dst = edge_index[1]
    pad = E_PAD - E
    src_p = jnp.pad(src, (0, pad))
    dst_p = jnp.pad(dst, (0, pad), constant_values=N)

    eye8 = jnp.eye(PK, dtype=jnp.float32)
    w2 = jnp.kron(eye8, W_net)
    b2 = jnp.tile(b_net, PK).reshape(1, KD)
    k0 = lax.broadcasted_iota(jnp.int32, (128, KD), 0)
    c0 = lax.broadcasted_iota(jnp.int32, (128, KD), 1)
    r2 = ((k0 // IN_DIM == c0 // (IN_DIM * OUT_DIM))
          & (k0 % IN_DIM == (c0 % (IN_DIM * OUT_DIM)) // OUT_DIM)
          ).astype(jnp.float32)
    s0 = lax.broadcasted_iota(jnp.int32, (KD, 128), 0)
    s1 = lax.broadcasted_iota(jnp.int32, (KD, 128), 1)
    s2 = ((s0 // (IN_DIM * OUT_DIM) == s1 // OUT_DIM)
          & (s0 % OUT_DIM == s1 % OUT_DIM)).astype(jnp.float32)

    x_src = _sc_gather()(node_feat, src_p)
    msg = _msg_call(edge_feat.reshape(E8, 128), x_src.reshape(E8_PAD, 128),
                    w2, b2, r2, s2)
    agg_parts, cnt_parts = _sc_scatter()(
        msg.reshape(E_PAD, OUT_DIM), dst_p,
        jnp.zeros((ZROWS, OUT_DIM), jnp.float32),
        jnp.ones((HALF, OUT_DIM), jnp.float32),
    )

    wr2 = jnp.kron(eye8, W_root)
    m0 = lax.broadcasted_iota(jnp.int32, (128, 128), 0)
    m1 = lax.broadcasted_iota(jnp.int32, (128, 128), 1)
    m = (m0 % OUT_DIM == m1 % OUT_DIM).astype(jnp.float32)
    out = _final_call(
        node_feat.reshape(N8, 128), agg_parts.reshape(NC, N8, 128),
        cnt_parts.reshape(NC, N8, 128), wr2, m,
        jnp.tile(root_bias, PK).reshape(1, 128),
        jnp.tile(bn_gamma, PK).reshape(1, 128),
        jnp.tile(bn_beta, PK).reshape(1, 128),
    )
    return (out.reshape(N, OUT_DIM), edge_index, edge_feat)

# --- scband reference (transcript-rebuilt; emitter-appended) ---
"""Pipeline reference for scband-generator-layer-55430847922652 (READ-ONLY COPY).

The authoritative reference and input builder live on the scoring server;
editing this copy changes nothing except your own understanding.
"""

import jax, jax.numpy as jnp
import numpy as np

N = 10000
E = 160000
IN_DIM = 16
OUT_DIM = 16
EDGE_DIM = 16


def setup_inputs(seed: int = 0) -> dict:
    key = jax.random.key(seed)
    ks = jax.random.split(key, 12)
    inp = {}
    inp["node_feat"] = jax.random.normal(ks[0], (N, IN_DIM), dtype=jnp.float32)
    inp["edge_feat"] = jax.random.normal(ks[1], (E, EDGE_DIM), dtype=jnp.float32)
    inp["edge_index"] = jax.random.randint(ks[2], (2, E), 0, N, dtype=jnp.int32)
    inp["batch_index"] = jnp.sort(jax.random.randint(ks[3], (N,), 0, 64, dtype=jnp.int32))
    inp["num_sampled_nodes_per_hop"] = jnp.array([N], dtype=jnp.int32)
    inp["num_sampled_edges_per_hop"] = jnp.array([E], dtype=jnp.int32)
    s = 1.0 / np.sqrt(EDGE_DIM)
    inp["W_net"] = jax.random.uniform(ks[4], (EDGE_DIM, IN_DIM * OUT_DIM), minval=-s, maxval=s, dtype=jnp.float32)
    inp["b_net"] = jnp.zeros((IN_DIM * OUT_DIM,), dtype=jnp.float32)
    r = 1.0 / np.sqrt(IN_DIM)
    inp["W_root"] = jax.random.uniform(ks[5], (IN_DIM, OUT_DIM), minval=-r, maxval=r, dtype=jnp.float32)
    inp["root_bias"] = jnp.zeros((OUT_DIM,), dtype=jnp.float32)
    inp["bn_gamma"] = jnp.ones((OUT_DIM,), dtype=jnp.float32)
    inp["bn_beta"] = jnp.zeros((OUT_DIM,), dtype=jnp.float32)
    return inp


def _forward(node_feat, edge_feat, W_net, b_net, W_root, root_bias, bn_gamma, bn_beta, edge_index):
    src = edge_index[0]
    dst = edge_index[1]
    # edge network (depth=0 -> single linear) with tanh out_act, producing a [in,out] matrix per edge (NNConv)
    We = jnp.tanh(edge_feat @ W_net + b_net).reshape(-1, IN_DIM, OUT_DIM)
    x_src = jnp.take(node_feat, src, axis=0)
    msg = jnp.einsum("ei,eio->eo", x_src, We)
    # aggr='mean' over destination nodes
    agg = jax.ops.segment_sum(msg, dst, num_segments=N)
    cnt = jax.ops.segment_sum(jnp.ones((msg.shape[0],), dtype=jnp.float32), dst, num_segments=N)
    agg = agg / jnp.maximum(cnt, 1.0)[:, None]
    # root weight + bias
    out = node_feat @ W_root + agg + root_bias
    # batch_norm (training-mode batch stats) then leaky_relu
    mu = jnp.mean(out, axis=0, keepdims=True)
    var = jnp.var(out, axis=0, keepdims=True)
    out = (out - mu) / jnp.sqrt(var + 1e-5) * bn_gamma + bn_beta
    out = jnp.where(out >= 0, out, 0.01 * out)
    return out


def reference(node_feat, edge_feat, edge_index, batch_index, num_sampled_nodes_per_hop, num_sampled_edges_per_hop, W_net, b_net, W_root, root_bias, bn_gamma, bn_beta):
    out = _forward(node_feat, edge_feat, W_net, b_net, W_root, root_bias, bn_gamma, bn_beta, edge_index)
    # GeneratorLayer returns (node_feat_out, edge_index, edge_feat)
    return (out, edge_index, edge_feat)


if False:  # reference __main__ guard neutralized (emitter)
    o = reference(**setup_inputs())
    print(o[0].shape, o[0].dtype)

if __name__ == "__main__":
    import jax
    _d = setup_inputs()
    print(jax.jit(kernel)(*tuple(_d.values())))

</pallas_src>

<mosaic_0001>
#map = affine_map<(d0, d1) -> (0, 0)>
#map1 = affine_map<(d0, d1) -> (0)>
module attributes {stable_mosaic.version = 14 : i64} {
  func.func @_sc_gather_body(%arg0: i32, %arg1: i32, %arg2: memref<10000x16xf32, #tpu.memory_space<hbm>>, %arg3: memref<163840xi32, #tpu.memory_space<hbm>>, %arg4: memref<163840x16xf32, #tpu.memory_space<hbm>>, %arg5: memref<5120xi32, #tpu.memory_space<vmem>>, %arg6: memref<5120x16xf32, #tpu.memory_space<vmem>>, %arg7: memref<!tpu.dma_semaphore, #tpu.memory_space<semaphore_mem>>) attributes {dimension_semantics = [#tpu.dimension_semantics<core_parallel>, #tpu.dimension_semantics<subcore_parallel>], iteration_bounds = array<i64: 2, 16>, scalar_prefetch = 0 : i64, scratch_operands = 3 : i64, tpu.core_type = #tpu.core_type<sc_vector_subcore>, window_params = [{transform_indices = #map}, {transform_indices = #map1}, {transform_indices = #map}]} {
    %mul3A = arith.constant 2 : i32
    %mul3A_0 = arith.muli %arg1, %mul3A : i32
    %add3A = arith.addi %mul3A_0, %arg0 : i32
    %mul3A_1 = arith.constant 5120 : i32
    %mul3A_2 = arith.muli %add3A, %mul3A_1 : i32
    "tpu.region"() ({
      %run_scoped3A = tpu.sem_alloc : memref<!tpu.dma_semaphore, #tpu.memory_space<semaphore_mem>>
      %dma_start3A_7 = tpu.memref_slice %arg3[%mul3A_2] : memref<163840xi32, #tpu.memory_space<hbm>> -> memref<5120xi32, #tpu.memory_space<hbm>>
      %dma_start3A_8 = tpu.memref_slice %arg3[%mul3A_2] : memref<163840xi32, #tpu.memory_space<hbm>> -> memref<5120xi32, #tpu.memory_space<hbm>>
      tpu.enqueue_dma source(%dma_start3A_8 : memref<5120xi32, #tpu.memory_space<hbm>>) target(%arg5 : memref<5120xi32, #tpu.memory_space<vmem>>) target_semaphore(%run_scoped3A : memref<!tpu.dma_semaphore, #tpu.memory_space<semaphore_mem>>)
      %dma_wait3A_9 = tpu.memref_slice %arg3[%mul3A_2] : memref<163840xi32, #tpu.memory_space<hbm>> -> memref<5120xi32, #tpu.memory_space<hbm>>
      %dma_wait3A_10 = tpu.memref_slice %arg3[%mul3A_2] : memref<163840xi32, #tpu.memory_space<hbm>> -> memref<5120xi32, #tpu.memory_space<hbm>>
      tpu.wait_dma2 semaphore(%run_scoped3A : memref<!tpu.dma_semaphore, #tpu.memory_space<semaphore_mem>>) src(%dma_wait3A_10 : memref<5120xi32, #tpu.memory_space<hbm>>) dst(%arg5 : memref<5120xi32, #tpu.memory_space<vmem>>)
      tpu.yield
    }) : () -> ()
    %dma_start3A = arith.constant 0 : i32
    %dma_start3A_3 = arith.constant 0 : i32
    %dma_start3A_4 = tpu.memref_slice %arg2[%dma_start3A, %dma_start3A_3] : memref<10000x16xf32, #tpu.memory_space<hbm>> -> memref<10000x16xf32, #tpu.memory_space<hbm>>
    tpu.enqueue_indirect_dma source(%dma_start3A_4 : memref<10000x16xf32, #tpu.memory_space<hbm>>) target(%arg6 : memref<5120x16xf32, #tpu.memory_space<vmem>>) offsets(%arg5 : memref<5120xi32, #tpu.memory_space<vmem>>) semaphore(%arg7 : memref<!tpu.dma_semaphore, #tpu.memory_space<semaphore_mem>>)
    %dma_wait3A = arith.constant 0 : i32
    %dma_wait3A_5 = arith.constant 0 : i32
    %dma_wait3A_6 = tpu.memref_slice %arg2[%dma_wait3A, %dma_wait3A_5] : memref<10000x16xf32, #tpu.memory_space<hbm>> -> memref<10000x16xf32, #tpu.memory_space<hbm>>
    tpu.wait_indirect_dma semaphore(%arg7 : memref<!tpu.dma_semaphore, #tpu.memory_space<semaphore_mem>>) src(%dma_wait3A_6 : memref<10000x16xf32, #tpu.memory_space<hbm>>) dst(%arg6 : memref<5120x16xf32, #tpu.memory_space<vmem>>)
    "tpu.region"() ({
      %run_scoped3A = tpu.sem_alloc : memref<!tpu.dma_semaphore, #tpu.memory_space<semaphore_mem>>
      %dma_start3A_7 = arith.constant 0 : i32
      %dma_start3A_8 = tpu.memref_slice %arg4[%mul3A_2, %dma_start3A_7] : memref<163840x16xf32, #tpu.memory_space<hbm>> -> memref<5120x16xf32, #tpu.memory_space<hbm>>
      %dma_start3A_9 = arith.constant 0 : i32
      %dma_start3A_10 = tpu.memref_slice %arg4[%mul3A_2, %dma_start3A_9] : memref<163840x16xf32, #tpu.memory_space<hbm>> -> memref<5120x16xf32, #tpu.memory_space<hbm>>
      tpu.enqueue_dma source(%arg6 : memref<5120x16xf32, #tpu.memory_space<vmem>>) target(%dma_start3A_10 : memref<5120x16xf32, #tpu.memory_space<hbm>>) target_semaphore(%run_scoped3A : memref<!tpu.dma_semaphore, #tpu.memory_space<semaphore_mem>>)
      %dma_wait3A_11 = arith.constant 0 : i32
      %dma_wait3A_12 = tpu.memref_slice %arg4[%mul3A_2, %dma_wait3A_11] : memref<163840x16xf32, #tpu.memory_space<hbm>> -> memref<5120x16xf32, #tpu.memory_space<hbm>>
      %dma_wait3A_13 = arith.constant 0 : i32
      %dma_wait3A_14 = tpu.memref_slice %arg4[%mul3A_2, %dma_wait3A_13] : memref<163840x16xf32, #tpu.memory_space<hbm>> -> memref<5120x16xf32, #tpu.memory_space<hbm>>
      tpu.wait_dma2 semaphore(%run_scoped3A : memref<!tpu.dma_semaphore, #tpu.memory_space<semaphore_mem>>) src(%arg6 : memref<5120x16xf32, #tpu.memory_space<vmem>>) dst(%dma_wait3A_14 : memref<5120x16xf32, #tpu.memory_space<hbm>>)
      tpu.yield
    }) : () -> ()
    return
  }
}

#map = affine_map<(d0, d1) -> (0, 0)>
#map1 = affine_map<(d0, d1) -> (0)>
#map2 = affine_map<(d0, d1) -> (0, 0, 0)>
module attributes {stable_mosaic.version = 14 : i64} {
  func.func @_sc_scatter_body(%arg0: i32, %arg1: i32, %arg2: memref<163840x16xf32, #tpu.memory_space<hbm>>, %arg3: memref<163840xi32, #tpu.memory_space<hbm>>, %arg4: memref<628x16xf32, #tpu.memory_space<hbm>>, %arg5: memref<2560x16xf32, #tpu.memory_space<hbm>>, %arg6: memref<2x10000x16xf32, #tpu.memory_space<hbm>>, %arg7: memref<2x10000x16xf32, #tpu.memory_space<hbm>>, %arg8: memref<2560xi32, #tpu.memory_space<vmem>>, %arg9: memref<2560xi32, #tpu.memory_space<vmem>>, %arg10: memref<2560x16xf32, #tpu.memory_space<vmem>>, %arg11: memref<2560x16xf32, #tpu.memory_space<vmem>>, %arg12: memref<10048x16xf32, #tpu.memory_space<vmem_shared>>, %arg13: memref<10048x16xf32, #tpu.memory_space<vmem_shared>>) attributes {dimension_semantics = [#tpu.dimension_semantics<core_parallel>, #tpu.dimension_semantics<subcore_parallel>], iteration_bounds = array<i64: 2, 16>, scalar_prefetch = 0 : i64, scratch_operands = 6 : i64, tpu.core_type = #tpu.core_type<sc_vector_subcore>, window_params = [{transform_indices = #map}, {transform_indices = #map1}, {transform_indices = #map}, {transform_indices = #map}, {transform_indices = #map2}, {transform_indices = #map2}]} {
    %mul3A = arith.constant 2 : i32
    %mul3A_0 = arith.muli %arg1, %mul3A : i32
    %add3A = arith.addi %mul3A_0, %arg0 : i32
    %mul3A_1 = arith.constant 5120 : i32
    %mul3A_2 = arith.muli %add3A, %mul3A_1 : i32
    %mul3A_3 = arith.constant 628 : i32
    %mul3A_4 = arith.muli %arg1, %mul3A_3 : i32
    "tpu.region"() ({
      %run_scoped3A = tpu.sem_alloc : memref<!tpu.dma_semaphore, #tpu.memory_space<semaphore_mem>>
      %dma_start3A = arith.constant 0 : i32
      %dma_start3A_20 = tpu.memref_slice %arg12[%mul3A_4, %dma_start3A] : memref<10048x16xf32, #tpu.memory_space<vmem_shared>> -> memref<628x16xf32, #tpu.memory_space<vmem_shared>>
      tpu.enqueue_dma source(%arg4 : memref<628x16xf32, #tpu.memory_space<hbm>>) target(%dma_start3A_20 : memref<628x16xf32, #tpu.memory_space<vmem_shared>>) target_semaphore(%run_scoped3A : memref<!tpu.dma_semaphore, #tpu.memory_space<semaphore_mem>>)
      %dma_wait3A = arith.constant 0 : i32
      %dma_wait3A_21 = tpu.memref_slice %arg12[%mul3A_4, %dma_wait3A] : memref<10048x16xf32, #tpu.memory_space<vmem_shared>> -> memref<628x16xf32, #tpu.memory_space<vmem_shared>>
      tpu.wait_dma2 semaphore(%run_scoped3A : memref<!tpu.dma_semaphore, #tpu.memory_space<semaphore_mem>>) src(%arg4 : memref<628x16xf32, #tpu.memory_space<hbm>>) dst(%dma_wait3A_21 : memref<628x16xf32, #tpu.memory_space<vmem_shared>>)
      tpu.yield
    }) : () -> ()
    %mul3A_5 = arith.constant 628 : i32
    %mul3A_6 = arith.muli %arg1, %mul3A_5 : i32
    "tpu.region"() ({
      %run_scoped3A = tpu.sem_alloc : memref<!tpu.dma_semaphore, #tpu.memory_space<semaphore_mem>>
      %dma_start3A = arith.constant 0 : i32
      %dma_start3A_20 = tpu.memref_slice %arg13[%mul3A_6, %dma_start3A] : memref<10048x16xf32, #tpu.memory_space<vmem_shared>> -> memref<628x16xf32, #tpu.memory_space<vmem_shared>>
      tpu.enqueue_dma source(%arg4 : memref<628x16xf32, #tpu.memory_space<hbm>>) target(%dma_start3A_20 : memref<628x16xf32, #tpu.memory_space<vmem_shared>>) target_semaphore(%run_scoped3A : memref<!tpu.dma_semaphore, #tpu.memory_space<semaphore_mem>>)
      %dma_wait3A = arith.constant 0 : i32
      %dma_wait3A_21 = tpu.memref_slice %arg13[%mul3A_6, %dma_wait3A] : memref<10048x16xf32, #tpu.memory_space<vmem_shared>> -> memref<628x16xf32, #tpu.memory_space<vmem_shared>>
      tpu.wait_dma2 semaphore(%run_scoped3A : memref<!tpu.dma_semaphore, #tpu.memory_space<semaphore_mem>>) src(%arg4 : memref<628x16xf32, #tpu.memory_space<hbm>>) dst(%dma_wait3A_21 : memref<628x16xf32, #tpu.memory_space<vmem_shared>>)
      tpu.yield
    }) : () -> ()
    "tpu.region"() ({
      %run_scoped3A = tpu.sem_alloc : memref<!tpu.dma_semaphore, #tpu.memory_space<semaphore_mem>>
      %dma_start3A = tpu.memref_slice %arg3[%mul3A_2] : memref<163840xi32, #tpu.memory_space<hbm>> -> memref<2560xi32, #tpu.memory_space<hbm>>
      %dma_start3A_20 = tpu.memref_slice %arg3[%mul3A_2] : memref<163840xi32, #tpu.memory_space<hbm>> -> memref<2560xi32, #tpu.memory_space<hbm>>
      tpu.enqueue_dma source(%dma_start3A_20 : memref<2560xi32, #tpu.memory_space<hbm>>) target(%arg8 : memref<2560xi32, #tpu.memory_space<vmem>>) target_semaphore(%run_scoped3A : memref<!tpu.dma_semaphore, #tpu.memory_space<semaphore_mem>>)
      %dma_wait3A = tpu.memref_slice %arg3[%mul3A_2] : memref<163840xi32, #tpu.memory_space<hbm>> -> memref<2560xi32, #tpu.memory_space<hbm>>
      %dma_wait3A_21 = tpu.memref_slice %arg3[%mul3A_2] : memref<163840xi32, #tpu.memory_space<hbm>> -> memref<2560xi32, #tpu.memory_space<hbm>>
      tpu.wait_dma2 semaphore(%run_scoped3A : memref<!tpu.dma_semaphore, #tpu.memory_space<semaphore_mem>>) src(%dma_wait3A_21 : memref<2560xi32, #tpu.memory_space<hbm>>) dst(%arg8 : memref<2560xi32, #tpu.memory_space<vmem>>)
      tpu.yield
    }) : () -> ()
    %add3A_7 = arith.constant 2560 : i32
    %add3A_8 = arith.addi %mul3A_2, %add3A_7 : i32
    "tpu.region"() ({
      %run_scoped3A = tpu.sem_alloc : memref<!tpu.dma_semaphore, #tpu.memory_space<semaphore_mem>>
      %dma_start3A = tpu.memref_slice %arg3[%add3A_8] : memref<163840xi32, #tpu.memory_space<hbm>> -> memref<2560xi32, #tpu.memory_space<hbm>>
      %dma_start3A_20 = tpu.memref_slice %arg3[%add3A_8] : memref<163840xi32, #tpu.memory_space<hbm>> -> memref<2560xi32, #tpu.memory_space<hbm>>
      tpu.enqueue_dma source(%dma_start3A_20 : memref<2560xi32, #tpu.memory_space<hbm>>) target(%arg9 : memref<2560xi32, #tpu.memory_space<vmem>>) target_semaphore(%run_scoped3A : memref<!tpu.dma_semaphore, #tpu.memory_space<semaphore_mem>>)
      %dma_wait3A = tpu.memref_slice %arg3[%add3A_8] : memref<163840xi32, #tpu.memory_space<hbm>> -> memref<2560xi32, #tpu.memory_space<hbm>>
      %dma_wait3A_21 = tpu.memref_slice %arg3[%add3A_8] : memref<163840xi32, #tpu.memory_space<hbm>> -> memref<2560xi32, #tpu.memory_space<hbm>>
      tpu.wait_dma2 semaphore(%run_scoped3A : memref<!tpu.dma_semaphore, #tpu.memory_space<semaphore_mem>>) src(%dma_wait3A_21 : memref<2560xi32, #tpu.memory_space<hbm>>) dst(%arg9 : memref<2560xi32, #tpu.memory_space<vmem>>)
      tpu.yield
    }) : () -> ()
    "tpu.region"() ({
      %run_scoped3A = tpu.sem_alloc : memref<!tpu.dma_semaphore, #tpu.memory_space<semaphore_mem>>
      tpu.enqueue_dma source(%arg5 : memref<2560x16xf32, #tpu.memory_space<hbm>>) target(%arg11 : memref<2560x16xf32, #tpu.memory_space<vmem>>) target_semaphore(%run_scoped3A : memref<!tpu.dma_semaphore, #tpu.memory_space<semaphore_mem>>)
      tpu.wait_dma2 semaphore(%run_scoped3A : memref<!tpu.dma_semaphore, #tpu.memory_space<semaphore_mem>>) src(%arg5 : memref<2560x16xf32, #tpu.memory_space<hbm>>) dst(%arg11 : memref<2560x16xf32, #tpu.memory_space<vmem>>)
      tpu.yield
    }) : () -> ()
    %barrier3A = arith.constant 0 : index
    tpu.barrier barrier_id(%barrier3A)
    "tpu.region"() ({
      %run_scoped3A = tpu.sem_alloc : memref<!tpu.dma_semaphore, #tpu.memory_space<semaphore_mem>>
      %dma_start3A = arith.constant 0 : i32
      %dma_start3A_20 = tpu.memref_slice %arg2[%mul3A_2, %dma_start3A] : memref<163840x16xf32, #tpu.memory_space<hbm>> -> memref<2560x16xf32, #tpu.memory_space<hbm>>
      %dma_start3A_21 = arith.constant 0 : i32
      %dma_start3A_22 = tpu.memref_slice %arg2[%mul3A_2, %dma_start3A_21] : memref<163840x16xf32, #tpu.memory_space<hbm>> -> memref<2560x16xf32, #tpu.memory_space<hbm>>
      tpu.enqueue_dma source(%dma_start3A_22 : memref<2560x16xf32, #tpu.memory_space<hbm>>) target(%arg10 : memref<2560x16xf32, #tpu.memory_space<vmem>>) target_semaphore(%run_scoped3A : memref<!tpu.dma_semaphore, #tpu.memory_space<semaphore_mem>>)
      %dma_wait3A = arith.constant 0 : i32
      %dma_wait3A_23 = tpu.memref_slice %arg2[%mul3A_2, %dma_wait3A] : memref<163840x16xf32, #tpu.memory_space<hbm>> -> memref<2560x16xf32, #tpu.memory_space<hbm>>
      %dma_wait3A_24 = arith.constant 0 : i32
      %dma_wait3A_25 = tpu.memref_slice %arg2[%mul3A_2, %dma_wait3A_24] : memref<163840x16xf32, #tpu.memory_space<hbm>> -> memref<2560x16xf32, #tpu.memory_space<hbm>>
      tpu.wait_dma2 semaphore(%run_scoped3A : memref<!tpu.dma_semaphore, #tpu.memory_space<semaphore_mem>>) src(%dma_wait3A_25 : memref<2560x16xf32, #tpu.memory_space<hbm>>) dst(%arg10 : memref<2560x16xf32, #tpu.memory_space<vmem>>)
      tpu.yield
    }) : () -> ()
    "tpu.region"() ({
      %run_scoped3A = tpu.sem_alloc : memref<!tpu.dma_semaphore, #tpu.memory_space<semaphore_mem>>
      %dma_start3A = arith.constant 0 : i32
      %dma_start3A_20 = arith.constant 0 : i32
      %dma_start3A_21 = tpu.memref_slice %arg12[%dma_start3A, %dma_start3A_20] : memref<10048x16xf32, #tpu.memory_space<vmem_shared>> -> memref<10048x16xf32, #tpu.memory_space<vmem_shared>>
      tpu.enqueue_indirect_dma source(%arg10 : memref<2560x16xf32, #tpu.memory_space<vmem>>) target(%dma_start3A_21 : memref<10048x16xf32, #tpu.memory_space<vmem_shared>>) offsets(%arg8 : memref<2560xi32, #tpu.memory_space<vmem>>) semaphore(%run_scoped3A : memref<!tpu.dma_semaphore, #tpu.memory_space<semaphore_mem>>) {add = true}
      %dma_wait3A = arith.constant 0 : i32
      %dma_wait3A_22 = arith.constant 0 : i32
      %dma_wait3A_23 = tpu.memref_slice %arg12[%dma_wait3A, %dma_wait3A_22] : memref<10048x16xf32, #tpu.memory_space<vmem_shared>> -> memref<10048x16xf32, #tpu.memory_space<vmem_shared>>
      tpu.wait_indirect_dma semaphore(%run_scoped3A : memref<!tpu.dma_semaphore, #tpu.memory_space<semaphore_mem>>) src(%arg10 : memref<2560x16xf32, #tpu.memory_space<vmem>>) dst(%dma_wait3A_23 : memref<10048x16xf32, #tpu.memory_space<vmem_shared>>)
      tpu.yield
    }) : () -> ()
    %add3A_9 = arith.constant 2560 : i32
    %add3A_10 = arith.addi %mul3A_2, %add3A_9 : i32
    "tpu.region"() ({
      %run_scoped3A = tpu.sem_alloc : memref<!tpu.dma_semaphore, #tpu.memory_space<semaphore_mem>>
      %dma_start3A = arith.constant 0 : i32
      %dma_start3A_20 = tpu.memref_slice %arg2[%add3A_10, %dma_start3A] : memref<163840x16xf32, #tpu.memory_space<hbm>> -> memref<2560x16xf32, #tpu.memory_space<hbm>>
      %dma_start3A_21 = arith.constant 0 : i32
      %dma_start3A_22 = tpu.memref_slice %arg2[%add3A_10, %dma_start3A_21] : memref<163840x16xf32, #tpu.memory_space<hbm>> -> memref<2560x16xf32, #tpu.memory_space<hbm>>
      tpu.enqueue_dma source(%dma_start3A_22 : memref<2560x16xf32, #tpu.memory_space<hbm>>) target(%arg10 : memref<2560x16xf32, #tpu.memory_space<vmem>>) target_semaphore(%run_scoped3A : memref<!tpu.dma_semaphore, #tpu.memory_space<semaphore_mem>>)
      %dma_wait3A = arith.constant 0 : i32
      %dma_wait3A_23 = tpu.memref_slice %arg2[%add3A_10, %dma_wait3A] : memref<163840x16xf32, #tpu.memory_space<hbm>> -> memref<2560x16xf32, #tpu.memory_space<hbm>>
      %dma_wait3A_24 = arith.constant 0 : i32
      %dma_wait3A_25 = tpu.memref_slice %arg2[%add3A_10, %dma_wait3A_24] : memref<163840x16xf32, #tpu.memory_space<hbm>> -> memref<2560x16xf32, #tpu.memory_space<hbm>>
      tpu.wait_dma2 semaphore(%run_scoped3A : memref<!tpu.dma_semaphore, #tpu.memory_space<semaphore_mem>>) src(%dma_wait3A_25 : memref<2560x16xf32, #tpu.memory_space<hbm>>) dst(%arg10 : memref<2560x16xf32, #tpu.memory_space<vmem>>)
      tpu.yield
    }) : () -> ()
    "tpu.region"() ({
      %run_scoped3A = tpu.sem_alloc : memref<!tpu.dma_semaphore, #tpu.memory_space<semaphore_mem>>
      %dma_start3A = arith.constant 0 : i32
      %dma_start3A_20 = arith.constant 0 : i32
      %dma_start3A_21 = tpu.memref_slice %arg12[%dma_start3A, %dma_start3A_20] : memref<10048x16xf32, #tpu.memory_space<vmem_shared>> -> memref<10048x16xf32, #tpu.memory_space<vmem_shared>>
      tpu.enqueue_indirect_dma source(%arg10 : memref<2560x16xf32, #tpu.memory_space<vmem>>) target(%dma_start3A_21 : memref<10048x16xf32, #tpu.memory_space<vmem_shared>>) offsets(%arg9 : memref<2560xi32, #tpu.memory_space<vmem>>) semaphore(%run_scoped3A : memref<!tpu.dma_semaphore, #tpu.memory_space<semaphore_mem>>) {add = true}
      %dma_wait3A = arith.constant 0 : i32
      %dma_wait3A_22 = arith.constant 0 : i32
      %dma_wait3A_23 = tpu.memref_slice %arg12[%dma_wait3A, %dma_wait3A_22] : memref<10048x16xf32, #tpu.memory_space<vmem_shared>> -> memref<10048x16xf32, #tpu.memory_space<vmem_shared>>
      tpu.wait_indirect_dma semaphore(%run_scoped3A : memref<!tpu.dma_semaphore, #tpu.memory_space<semaphore_mem>>) src(%arg10 : memref<2560x16xf32, #tpu.memory_space<vmem>>) dst(%dma_wait3A_23 : memref<10048x16xf32, #tpu.memory_space<vmem_shared>>)
      tpu.yield
    }) : () -> ()
    "tpu.region"() ({
      %run_scoped3A = tpu.sem_alloc : memref<!tpu.dma_semaphore, #tpu.memory_space<semaphore_mem>>
      %dma_start3A = arith.constant 0 : i32
      %dma_start3A_20 = arith.constant 0 : i32
      %dma_start3A_21 = tpu.memref_slice %arg13[%dma_start3A, %dma_start3A_20] : memref<10048x16xf32, #tpu.memory_space<vmem_shared>> -> memref<10048x16xf32, #tpu.memory_space<vmem_shared>>
      tpu.enqueue_indirect_dma source(%arg11 : memref<2560x16xf32, #tpu.memory_space<vmem>>) target(%dma_start3A_21 : memref<10048x16xf32, #tpu.memory_space<vmem_shared>>) offsets(%arg8 : memref<2560xi32, #tpu.memory_space<vmem>>) semaphore(%run_scoped3A : memref<!tpu.dma_semaphore, #tpu.memory_space<semaphore_mem>>) {add = true}
      %dma_wait3A = arith.constant 0 : i32
      %dma_wait3A_22 = arith.constant 0 : i32
      %dma_wait3A_23 = tpu.memref_slice %arg13[%dma_wait3A, %dma_wait3A_22] : memref<10048x16xf32, #tpu.memory_space<vmem_shared>> -> memref<10048x16xf32, #tpu.memory_space<vmem_shared>>
      tpu.wait_indirect_dma semaphore(%run_scoped3A : memref<!tpu.dma_semaphore, #tpu.memory_space<semaphore_mem>>) src(%arg11 : memref<2560x16xf32, #tpu.memory_space<vmem>>) dst(%dma_wait3A_23 : memref<10048x16xf32, #tpu.memory_space<vmem_shared>>)
      tpu.yield
    }) : () -> ()
    "tpu.region"() ({
      %run_scoped3A = tpu.sem_alloc : memref<!tpu.dma_semaphore, #tpu.memory_space<semaphore_mem>>
      %dma_start3A = arith.constant 0 : i32
      %dma_start3A_20 = arith.constant 0 : i32
      %dma_start3A_21 = tpu.memref_slice %arg13[%dma_start3A, %dma_start3A_20] : memref<10048x16xf32, #tpu.memory_space<vmem_shared>> -> memref<10048x16xf32, #tpu.memory_space<vmem_shared>>
      tpu.enqueue_indirect_dma source(%arg11 : memref<2560x16xf32, #tpu.memory_space<vmem>>) target(%dma_start3A_21 : memref<10048x16xf32, #tpu.memory_space<vmem_shared>>) offsets(%arg9 : memref<2560xi32, #tpu.memory_space<vmem>>) semaphore(%run_scoped3A : memref<!tpu.dma_semaphore, #tpu.memory_space<semaphore_mem>>) {add = true}
      %dma_wait3A = arith.constant 0 : i32
      %dma_wait3A_22 = arith.constant 0 : i32
      %dma_wait3A_23 = tpu.memref_slice %arg13[%dma_wait3A, %dma_wait3A_22] : memref<10048x16xf32, #tpu.memory_space<vmem_shared>> -> memref<10048x16xf32, #tpu.memory_space<vmem_shared>>
      tpu.wait_indirect_dma semaphore(%run_scoped3A : memref<!tpu.dma_semaphore, #tpu.memory_space<semaphore_mem>>) src(%arg11 : memref<2560x16xf32, #tpu.memory_space<vmem>>) dst(%dma_wait3A_23 : memref<10048x16xf32, #tpu.memory_space<vmem_shared>>)
      tpu.yield
    }) : () -> ()
    %barrier3A_11 = arith.constant 0 : index
    tpu.barrier barrier_id(%barrier3A_11)
    %mul3A_12 = arith.constant 625 : i32
    %mul3A_13 = arith.muli %arg1, %mul3A_12 : i32
    %mul3A_14 = arith.constant 625 : i32
    %mul3A_15 = arith.muli %arg1, %mul3A_14 : i32
    "tpu.region"() ({
      %run_scoped3A = tpu.sem_alloc : memref<!tpu.dma_semaphore, #tpu.memory_space<semaphore_mem>>
      %dma_start3A = arith.constant 0 : i32
      %dma_start3A_20 = tpu.memref_slice %arg6[%arg0, %mul3A_15, %dma_start3A] : memref<2x10000x16xf32, #tpu.memory_space<hbm>> -> memref<1x625x16xf32, #tpu.memory_space<hbm>>
      %dma_start3A_21 = tpu.memref_squeeze %dma_start3A_20 : memref<1x625x16xf32, #tpu.memory_space<hbm>> -> memref<625x16xf32, #tpu.memory_space<hbm>>
      %dma_start3A_22 = arith.constant 0 : i32
      %dma_start3A_23 = tpu.memref_slice %arg12[%mul3A_13, %dma_start3A_22] : memref<10048x16xf32, #tpu.memory_space<vmem_shared>> -> memref<625x16xf32, #tpu.memory_space<vmem_shared>>
      tpu.enqueue_dma source(%dma_start3A_23 : memref<625x16xf32, #tpu.memory_space<vmem_shared>>) target(%dma_start3A_21 : memref<625x16xf32, #tpu.memory_space<hbm>>) target_semaphore(%run_scoped3A : memref<!tpu.dma_semaphore, #tpu.memory_space<semaphore_mem>>)
      %dma_wait3A = arith.constant 0 : i32
      %dma_wait3A_24 = tpu.memref_slice %arg6[%arg0, %mul3A_15, %dma_wait3A] : memref<2x10000x16xf32, #tpu.memory_space<hbm>> -> memref<1x625x16xf32, #tpu.memory_space<hbm>>
      %dma_wait3A_25 = tpu.memref_squeeze %dma_wait3A_24 : memref<1x625x16xf32, #tpu.memory_space<hbm>> -> memref<625x16xf32, #tpu.memory_space<hbm>>
      %dma_wait3A_26 = arith.constant 0 : i32
      %dma_wait3A_27 = tpu.memref_slice %arg12[%mul3A_13, %dma_wait3A_26] : memref<10048x16xf32, #tpu.memory_space<vmem_shared>> -> memref<625x16xf32, #tpu.memory_space<vmem_shared>>
      tpu.wait_dma2 semaphore(%run_scoped3A : memref<!tpu.dma_semaphore, #tpu.memory_space<semaphore_mem>>) src(%dma_wait3A_27 : memref<625x16xf32, #tpu.memory_space<vmem_shared>>) dst(%dma_wait3A_25 : memref<625x16xf32, #tpu.memory_space<hbm>>)
      tpu.yield
    }) : () -> ()
    %mul3A_16 = arith.constant 625 : i32
    %mul3A_17 = arith.muli %arg1, %mul3A_16 : i32
    %mul3A_18 = arith.constant 625 : i32
    %mul3A_19 = arith.muli %arg1, %mul3A_18 : i32
    "tpu.region"() ({
      %run_scoped3A = tpu.sem_alloc : memref<!tpu.dma_semaphore, #tpu.memory_space<semaphore_mem>>
      %dma_start3A = arith.constant 0 : i32
      %dma_start3A_20 = tpu.memref_slice %arg7[%arg0, %mul3A_19, %dma_start3A] : memref<2x10000x16xf32, #tpu.memory_space<hbm>> -> memref<1x625x16xf32, #tpu.memory_space<hbm>>
      %dma_start3A_21 = tpu.memref_squeeze %dma_start3A_20 : memref<1x625x16xf32, #tpu.memory_space<hbm>> -> memref<625x16xf32, #tpu.memory_space<hbm>>
      %dma_start3A_22 = arith.constant 0 : i32
      %dma_start3A_23 = tpu.memref_slice %arg13[%mul3A_17, %dma_start3A_22] : memref<10048x16xf32, #tpu.memory_space<vmem_shared>> -> memref<625x16xf32, #tpu.memory_space<vmem_shared>>
      tpu.enqueue_dma source(%dma_start3A_23 : memref<625x16xf32, #tpu.memory_space<vmem_shared>>) target(%dma_start3A_21 : memref<625x16xf32, #tpu.memory_space<hbm>>) target_semaphore(%run_scoped3A : memref<!tpu.dma_semaphore, #tpu.memory_space<semaphore_mem>>)
      %dma_wait3A = arith.constant 0 : i32
      %dma_wait3A_24 = tpu.memref_slice %arg7[%arg0, %mul3A_19, %dma_wait3A] : memref<2x10000x16xf32, #tpu.memory_space<hbm>> -> memref<1x625x16xf32, #tpu.memory_space<hbm>>
      %dma_wait3A_25 = tpu.memref_squeeze %dma_wait3A_24 : memref<1x625x16xf32, #tpu.memory_space<hbm>> -> memref<625x16xf32, #tpu.memory_space<hbm>>
      %dma_wait3A_26 = arith.constant 0 : i32
      %dma_wait3A_27 = tpu.memref_slice %arg13[%mul3A_17, %dma_wait3A_26] : memref<10048x16xf32, #tpu.memory_space<vmem_shared>> -> memref<625x16xf32, #tpu.memory_space<vmem_shared>>
      tpu.wait_dma2 semaphore(%run_scoped3A : memref<!tpu.dma_semaphore, #tpu.memory_space<semaphore_mem>>) src(%dma_wait3A_27 : memref<625x16xf32, #tpu.memory_space<vmem_shared>>) dst(%dma_wait3A_25 : memref<625x16xf32, #tpu.memory_space<hbm>>)
      tpu.yield
    }) : () -> ()
    return
  }
}

module attributes {stable_mosaic.version = 14 : i64} {
  func.func @_msg_body(%arg0: i32, %arg1: memref<400x128xf32, #tpu.memory_space<vmem>>, %arg2: memref<400x128xf32, #tpu.memory_space<vmem>>, %arg3: memref<128x2048xf32, #tpu.memory_space<vmem>>, %arg4: memref<1x2048xf32, #tpu.memory_space<vmem>>, %arg5: memref<128x2048xf32, #tpu.memory_space<vmem>>, %arg6: memref<2048x128xf32, #tpu.memory_space<vmem>>, %arg7: memref<400x128xf32, #tpu.memory_space<vmem>>) attributes {dimension_semantics = [#tpu.dimension_semantics<arbitrary>], iteration_bounds = array<i64: 50>, scalar_prefetch = 0 : i64, scratch_operands = 0 : i64, tpu.core_type = #tpu.core_type<tc>, window_params = [{transform_indices = @transform_0, window_bounds = array<i64: 400, 128>}, {transform_indices = @transform_1, window_bounds = array<i64: 400, 128>}, {pipeline_mode = #tpu.pipeline_mode<synchronous>, transform_indices = @transform_2, window_bounds = array<i64: 128, 2048>}, {pipeline_mode = #tpu.pipeline_mode<synchronous>, transform_indices = @transform_3, window_bounds = array<i64: 1, 2048>}, {pipeline_mode = #tpu.pipeline_mode<synchronous>, transform_indices = @transform_4, window_bounds = array<i64: 128, 2048>}, {pipeline_mode = #tpu.pipeline_mode<synchronous>, transform_indices = @transform_5, window_bounds = array<i64: 2048, 128>}, {transform_indices = @transform_6, window_bounds = array<i64: 400, 128>}]} {
    %get3A = arith.constant 0 : index
    %get3A_0 = arith.constant 0 : index
    %get3A_1 = vector.load %arg1[%get3A, %get3A_0] : memref<400x128xf32, #tpu.memory_space<vmem>>, vector<400x128xf32>
    %get3A_2 = arith.constant 0 : index
    %get3A_3 = arith.constant 0 : index
    %get3A_4 = vector.load %arg2[%get3A_2, %get3A_3] : memref<400x128xf32, #tpu.memory_space<vmem>>, vector<400x128xf32>
    %get3A_5 = arith.constant 0 : index
    %get3A_6 = arith.constant 0 : index
    %get3A_7 = vector.load %arg3[%get3A_5, %get3A_6] : memref<128x2048xf32, #tpu.memory_space<vmem>>, vector<128x2048xf32>
    %dot_general3A = arith.constant dense<0.000000e+00> : vector<400x2048xf32>
    %dot_general3A_8 = tpu.matmul %get3A_1, %get3A_7, %dot_general3A {dimension_numbers = #tpu.dot_dimension_numbers<[1], [0], [0], [1], [0, 0, 1, 1], [], []>, transpose_lhs_hint = false} : vector<400x128xf32>, vector<128x2048xf32>, vector<400x2048xf32> -> vector<400x2048xf32>
    %get3A_9 = arith.constant 0 : index
    %get3A_10 = arith.constant 0 : index
    %get3A_11 = vector.load %arg4[%get3A_9, %get3A_10] : memref<1x2048xf32, #tpu.memory_space<vmem>>, vector<1x2048xf32>
    %add3A = vector.broadcast %get3A_11 : vector<1x2048xf32> to vector<400x2048xf32>
    %add3A_12 = arith.addf %dot_general3A_8, %add3A : vector<400x2048xf32>
    %tanh3A = math.tanh %add3A_12 : vector<400x2048xf32>
    %get3A_13 = arith.constant 0 : index
    %get3A_14 = arith.constant 0 : index
    %get3A_15 = vector.load %arg5[%get3A_13, %get3A_14] : memref<128x2048xf32, #tpu.memory_space<vmem>>, vector<128x2048xf32>
    %dot_general3A_16 = arith.constant dense<0.000000e+00> : vector<400x2048xf32>
    %dot_general3A_17 = tpu.matmul %get3A_4, %get3A_15, %dot_general3A_16 {dimension_numbers = #tpu.dot_dimension_numbers<[1], [0], [0], [1], [0, 0, 1, 1], [], []>, transpose_lhs_hint = false} : vector<400x128xf32>, vector<128x2048xf32>, vector<400x2048xf32> -> vector<400x2048xf32>
    %mul3A = arith.mulf %dot_general3A_17, %tanh3A : vector<400x2048xf32>
    %get3A_18 = arith.constant 0 : index
    %get3A_19 = arith.constant 0 : index
    %get3A_20 = vector.load %arg6[%get3A_18, %get3A_19] : memref<2048x128xf32, #tpu.memory_space<vmem>>, vector<2048x128xf32>
    %dot_general3A_21 = arith.constant dense<0.000000e+00> : vector<400x128xf32>
    %dot_general3A_22 = tpu.matmul %mul3A, %get3A_20, %dot_general3A_21 {dimension_numbers = #tpu.dot_dimension_numbers<[1], [0], [0], [1], [0, 0, 1, 1], [], []>, transpose_lhs_hint = false} : vector<400x2048xf32>, vector<2048x128xf32>, vector<400x128xf32> -> vector<400x128xf32>
    %swap3A = arith.constant 0 : index
    %swap3A_23 = arith.constant 0 : index
    %swap3A_24 = vector.load %arg7[%swap3A, %swap3A_23] : memref<400x128xf32, #tpu.memory_space<vmem>>, vector<400x128xf32>
    tpu.vector_store %arg7[%swap3A, %swap3A_23], %dot_general3A_22 {strides = array<i32>} : memref<400x128xf32, #tpu.memory_space<vmem>>, vector<400x128xf32>,
    return
  }
  func.func @transform_0(%arg0: i32) -> (i32, i32) {
    %c0_i32 = arith.constant 0 : i32
    %c0_i32_0 = arith.constant 0 : i32
    return %arg0, %c0_i32 : i32, i32
  }
  func.func @transform_1(%arg0: i32) -> (i32, i32) {
    %c0_i32 = arith.constant 0 : i32
    %c0_i32_0 = arith.constant 0 : i32
    return %arg0, %c0_i32 : i32, i32
  }
  func.func @transform_2(%arg0: i32) -> (i32, i32) {
    %c0_i32 = arith.constant 0 : i32
    %c0_i32_0 = arith.constant 0 : i32
    %c0_i32_1 = arith.constant 0 : i32
    return %c0_i32, %c0_i32_0 : i32, i32
  }
  func.func @transform_3(%arg0: i32) -> (i32, i32) {
    %c0_i32 = arith.constant 0 : i32
    %c0_i32_0 = arith.constant 0 : i32
    %c0_i32_1 = arith.constant 0 : i32
    return %c0_i32, %c0_i32_0 : i32, i32
  }
  func.func @transform_4(%arg0: i32) -> (i32, i32) {
    %c0_i32 = arith.constant 0 : i32
    %c0_i32_0 = arith.constant 0 : i32
    %c0_i32_1 = arith.constant 0 : i32
    return %c0_i32, %c0_i32_0 : i32, i32
  }
  func.func @transform_5(%arg0: i32) -> (i32, i32) {
    %c0_i32 = arith.constant 0 : i32
    %c0_i32_0 = arith.constant 0 : i32
    %c0_i32_1 = arith.constant 0 : i32
    return %c0_i32, %c0_i32_0 : i32, i32
  }
  func.func @transform_6(%arg0: i32) -> (i32, i32) {
    %c0_i32 = arith.constant 0 : i32
    %c0_i32_0 = arith.constant 0 : i32
    return %arg0, %c0_i32 : i32, i32
  }
}

module attributes {stable_mosaic.version = 14 : i64} {
  func.func @_final_body(%arg0: memref<1250x128xf32, #tpu.memory_space<vmem>>, %arg1: memref<2x1250x128xf32, #tpu.memory_space<vmem>>, %arg2: memref<2x1250x128xf32, #tpu.memory_space<vmem>>, %arg3: memref<128x128xf32, #tpu.memory_space<vmem>>, %arg4: memref<128x128xf32, #tpu.memory_space<vmem>>, %arg5: memref<1x128xf32, #tpu.memory_space<vmem>>, %arg6: memref<1x128xf32, #tpu.memory_space<vmem>>, %arg7: memref<1x128xf32, #tpu.memory_space<vmem>>, %arg8: memref<1250x128xf32, #tpu.memory_space<vmem>>) attributes {dimension_semantics = [], scalar_prefetch = 0 : i64, scratch_operands = 0 : i64, tpu.core_type = #tpu.core_type<tc>} {
    %get3A = arith.constant 0 : index
    %get3A_0 = arith.constant 0 : index
    %get3A_1 = vector.load %arg0[%get3A, %get3A_0] : memref<1250x128xf32, #tpu.memory_space<vmem>>, vector<1250x128xf32>
    %get3A_2 = arith.constant 0 : index
    %get3A_3 = arith.constant 0 : index
    %get3A_4 = arith.constant 0 : index
    %get3A_5 = vector.load %arg1[%get3A_2, %get3A_3, %get3A_4] : memref<2x1250x128xf32, #tpu.memory_space<vmem>>, vector<1x1250x128xf32>
    %get3A_6 = vector.shape_cast %get3A_5 : vector<1x1250x128xf32> to vector<1250x128xf32>
    %get3A_7 = arith.constant 1 : index
    %get3A_8 = arith.constant 0 : index
    %get3A_9 = arith.constant 0 : index
    %get3A_10 = vector.load %arg1[%get3A_7, %get3A_8, %get3A_9] : memref<2x1250x128xf32, #tpu.memory_space<vmem>>, vector<1x1250x128xf32>
    %get3A_11 = vector.shape_cast %get3A_10 : vector<1x1250x128xf32> to vector<1250x128xf32>
    %add3A = arith.addf %get3A_6, %get3A_11 : vector<1250x128xf32>
    %get3A_12 = arith.constant 0 : index
    %get3A_13 = arith.constant 0 : index
    %get3A_14 = arith.constant 0 : index
    %get3A_15 = vector.load %arg2[%get3A_12, %get3A_13, %get3A_14] : memref<2x1250x128xf32, #tpu.memory_space<vmem>>, vector<1x1250x128xf32>
    %get3A_16 = vector.shape_cast %get3A_15 : vector<1x1250x128xf32> to vector<1250x128xf32>
    %get3A_17 = arith.constant 1 : index
    %get3A_18 = arith.constant 0 : index
    %get3A_19 = arith.constant 0 : index
    %get3A_20 = vector.load %arg2[%get3A_17, %get3A_18, %get3A_19] : memref<2x1250x128xf32, #tpu.memory_space<vmem>>, vector<1x1250x128xf32>
    %get3A_21 = vector.shape_cast %get3A_20 : vector<1x1250x128xf32> to vector<1250x128xf32>
    %add3A_22 = arith.addf %get3A_16, %get3A_21 : vector<1250x128xf32>
    %max3A = arith.constant 1.000000e+00 : f32
    %max3A_23 = vector.broadcast %max3A : f32 to vector<1250x128xf32>
    %max3A_24 = arith.maximumf %add3A_22, %max3A_23 : vector<1250x128xf32>
    %div3A = arith.divf %add3A, %max3A_24 : vector<1250x128xf32>
    %get3A_25 = arith.constant 0 : index
    %get3A_26 = arith.constant 0 : index
    %get3A_27 = vector.load %arg3[%get3A_25, %get3A_26] : memref<128x128xf32, #tpu.memory_space<vmem>>, vector<128x128xf32>
    %dot_general3A = arith.constant dense<0.000000e+00> : vector<1250x128xf32>
    %dot_general3A_28 = tpu.matmul %get3A_1, %get3A_27, %dot_general3A {dimension_numbers = #tpu.dot_dimension_numbers<[1], [0], [0], [1], [0, 0, 1, 1], [], []>, transpose_lhs_hint = false} : vector<1250x128xf32>, vector<128x128xf32>, vector<1250x128xf32> -> vector<1250x128xf32>
    %add3A_29 = arith.addf %dot_general3A_28, %div3A : vector<1250x128xf32>
    %get3A_30 = arith.constant 0 : index
    %get3A_31 = arith.constant 0 : index
    %get3A_32 = vector.load %arg5[%get3A_30, %get3A_31] : memref<1x128xf32, #tpu.memory_space<vmem>>, vector<1x128xf32>
    %add3A_33 = vector.broadcast %get3A_32 : vector<1x128xf32> to vector<1250x128xf32>
    %add3A_34 = arith.addf %add3A_29, %add3A_33 : vector<1250x128xf32>
    %reduce_sum3A = arith.constant dense<0.000000e+00> : vector<128xf32>
    %reduce_sum3A_35 = vector.multi_reduction <add>, %add3A_34, %reduce_sum3A [0] : vector<1250x128xf32> to vector<128xf32>
    %broadcast_in_dim3A = vector.shape_cast %reduce_sum3A_35 : vector<128xf32> to vector<1x128xf32>
    %mul3A = arith.mulf %add3A_34, %add3A_34 : vector<1250x128xf32>
    %reduce_sum3A_36 = arith.constant dense<0.000000e+00> : vector<128xf32>
    %reduce_sum3A_37 = vector.multi_reduction <add>, %mul3A, %reduce_sum3A_36 [0] : vector<1250x128xf32> to vector<128xf32>
    %broadcast_in_dim3A_38 = vector.shape_cast %reduce_sum3A_37 : vector<128xf32> to vector<1x128xf32>
    %get3A_39 = arith.constant 0 : index
    %get3A_40 = arith.constant 0 : index
    %get3A_41 = vector.load %arg4[%get3A_39, %get3A_40] : memref<128x128xf32, #tpu.memory_space<vmem>>, vector<128x128xf32>
    %dot_general3A_42 = arith.constant dense<0.000000e+00> : vector<1x128xf32>
    %dot_general3A_43 = tpu.matmul %broadcast_in_dim3A, %get3A_41, %dot_general3A_42 {dimension_numbers = #tpu.dot_dimension_numbers<[1], [0], [0], [1], [0, 0, 1, 1], [], []>, transpose_lhs_hint = false} : vector<1x128xf32>, vector<128x128xf32>, vector<1x128xf32> -> vector<1x128xf32>
    %div3A_44 = arith.constant 1.000000e+04 : f32
    %div3A_45 = vector.broadcast %div3A_44 : f32 to vector<1x128xf32>
    %div3A_46 = arith.divf %dot_general3A_43, %div3A_45 : vector<1x128xf32>
    %get3A_47 = arith.constant 0 : index
    %get3A_48 = arith.constant 0 : index
    %get3A_49 = vector.load %arg4[%get3A_47, %get3A_48] : memref<128x128xf32, #tpu.memory_space<vmem>>, vector<128x128xf32>
    %dot_general3A_50 = arith.constant dense<0.000000e+00> : vector<1x128xf32>
    %dot_general3A_51 = tpu.matmul %broadcast_in_dim3A_38, %get3A_49, %dot_general3A_50 {dimension_numbers = #tpu.dot_dimension_numbers<[1], [0], [0], [1], [0, 0, 1, 1], [], []>, transpose_lhs_hint = false} : vector<1x128xf32>, vector<128x128xf32>, vector<1x128xf32> -> vector<1x128xf32>
    %div3A_52 = arith.constant 1.000000e+04 : f32
    %div3A_53 = vector.broadcast %div3A_52 : f32 to vector<1x128xf32>
    %div3A_54 = arith.divf %dot_general3A_51, %div3A_53 : vector<1x128xf32>
    %mul3A_55 = arith.mulf %div3A_46, %div3A_46 : vector<1x128xf32>
    %sub3A = arith.subf %div3A_54, %mul3A_55 : vector<1x128xf32>
    %sub3A_56 = vector.broadcast %div3A_46 : vector<1x128xf32> to vector<1250x128xf32>
    %sub3A_57 = arith.subf %add3A_34, %sub3A_56 : vector<1250x128xf32>
    %add3A_58 = arith.constant 9.99999974E-6 : f32
    %add3A_59 = vector.broadcast %add3A_58 : f32 to vector<1x128xf32>
    %add3A_60 = arith.addf %sub3A, %add3A_59 : vector<1x128xf32>
    %sqrt3A = math.sqrt %add3A_60 : vector<1x128xf32>
    %div3A_61 = vector.broadcast %sqrt3A : vector<1x128xf32> to vector<1250x128xf32>
    %div3A_62 = arith.divf %sub3A_57, %div3A_61 : vector<1250x128xf32>
    %get3A_63 = arith.constant 0 : index
    %get3A_64 = arith.constant 0 : index
    %get3A_65 = vector.load %arg6[%get3A_63, %get3A_64] : memref<1x128xf32, #tpu.memory_space<vmem>>, vector<1x128xf32>
    %mul3A_66 = vector.broadcast %get3A_65 : vector<1x128xf32> to vector<1250x128xf32>
    %mul3A_67 = arith.mulf %div3A_62, %mul3A_66 : vector<1250x128xf32>
    %get3A_68 = arith.constant 0 : index
    %get3A_69 = arith.constant 0 : index
    %get3A_70 = vector.load %arg7[%get3A_68, %get3A_69] : memref<1x128xf32, #tpu.memory_space<vmem>>, vector<1x128xf32>
    %add3A_71 = vector.broadcast %get3A_70 : vector<1x128xf32> to vector<1250x128xf32>
    %add3A_72 = arith.addf %mul3A_67, %add3A_71 : vector<1250x128xf32>
    %ge3A = arith.constant 0.000000e+00 : f32
    %ge3A_73 = vector.broadcast %ge3A : f32 to vector<1250x128xf32>
    %ge3A_74 = arith.cmpf oge, %add3A_72, %ge3A_73 : vector<1250x128xf32>
    %mul3A_75 = arith.constant 0.00999999977 : f32
    %mul3A_76 = vector.broadcast %mul3A_75 : f32 to vector<1250x128xf32>
    %mul3A_77 = arith.mulf %mul3A_76, %add3A_72 : vector<1250x128xf32>
    %select_n3A = arith.select %ge3A_74, %add3A_72, %mul3A_77 : vector<1250x128xi1>, vector<1250x128xf32>
    %swap3A = arith.constant 0 : index
    %swap3A_78 = arith.constant 0 : index
    %swap3A_79 = vector.load %arg8[%swap3A, %swap3A_78] : memref<1250x128xf32, #tpu.memory_space<vmem>>, vector<1250x128xf32>
    tpu.vector_store %arg8[%swap3A, %swap3A_78], %select_n3A {strides = array<i32>} : memref<1250x128xf32, #tpu.memory_space<vmem>>, vector<1250x128xf32>,
    return
  }
}

</mosaic_0001>

<sc_bundles>
// kernel: kernel.6.cloned.1.call-start
scs
__scs_entry_jumppad:
0x0: {  	(pc) =	sbr.rel $0x88, $3  }
0x1: {  	(tag) =	ssettag $0x0;
	lr =	simm.s32 $0x1  }
0x2: {  	[smem:$0x3F98] =	sst lr;
	_ =	strace $0xD0000000  }
0x3: {  	_ = 	snop  }
0x4: {  	_ = 	snop  }
0x5: {  	_ = 	snop  }
0x6: {  	_ = 	snop  }
0x7: {  	_ = 	snop  }
__scs_overlays_trampoline_lowered:
0x8: {  	[smem:$0x3FA7] =	sst s0  }
0x9: {  	[smem:$0x3FA8] =	sst s1  }
0xa: {  	[smem:$0x3FA9] =	sst s2  }
0xb: {  	[smem:$0x3FAA] =	sst s3  }
0xc: {  	[smem:$0x3FAB] =	sst s4  }
0xd: {  	[smem:$0x3FAC] =	sst s5  }
0xe: {  	[smem:$0x3FAD] =	sst s6  }
0xf: {  	[smem:$0x3FAE] =	sst s7  }
0x10: {  	[smem:$0x3FAF] =	sst s8  }
0x11: {  	[smem:$0x3FB0] =	sst s9;
	s0 =	simm.s32 @!p0 $0x0  }
0x12: {  	s1 =	sld [smem:$0x3F96];
	s0 =	simm.s32 @p0 $0x1  }
0x13: {  	[smem:$0x3FB1] =	sst s0;
	s0 =	simm.s32 @!p1 $0x0  }
0x14: {  	s2 =	sld [smem:$0x3F95];
	s0 =	simm.s32 @p1 $0x1  }
0x15: {  	[smem:$0x3FB2] =	sst s0;
	s0 =	simm.s32 @!p2 $0x0  }
0x16: {  	s3 =	sld [smem:$0x3FDB];
	s0 =	simm.s32 @p2 $0x1  }
0x17: {  	s4 =	simm.s32 $0x1BF5;
	[smem:$0x3FB4] =	sst s0  }
0x18: {  	s0 =	sld [smem:$0x3F97];
	_ =	swait.ge [sflag:s4], $0x0  }
0x19: {  	s7 =	sld [smem:$0x3F98]  }
0x1a: {  	s8 =	sadd.s32 $0xFFFFE003, lr  }
0x1b: {  	s9 =	sadd.s32 $0xFFFFFEF7, lr;
	s5 =	simm.s32 $0xFFFFFFFF;
	p2 =	slt.u32 s8, $0xFFFFF086  }
0x1c: {  	p1 =	slt.u32 s9, $0xF7A;
	s5 =	simm.s32 @!p2 $0x0  }
0x1d: {  	s5 =	simm.s32 @p1 $0x1;
	p0 =	seq.s32 s7, s2  }
0x1e: {  	s7 =	smul.u32 @!p0 $0xF7A, s2;
	p2 =	seq.s32 @!p0 s5, $0x0  }
0x1f: {  	s9 =	smul.u32 $0xF7A, s1;
	s8 =	simm.s32 @!p0 $0x1BF5;
	p2 =	por !p2, p0  }
0x20: {  	[sflag:s8] =	ssyncset.s32 @!p0 $0xFFFFF086;
	s6 =	sadd.s32 @!p0 s3, s7;
	s7 =	simm.s32 @!p0 $0x108  }
0x21: {  	s3 =	sadd.s32 s3, s9;
	s6 =	sadd.s32 @!p0 $0x88, s6;
	s7 =	simm.s32 @p2 $0x1082  }
0x22: {  	[simem:s7], [sflag:s8] =	dma.local @!p0 [hbm:s6], $0xF7A  }
0x23: {  	s9 =	sor.u32 $0xD0000000, s2;
	s6 =	simm.s32 $0x108;
	_ =	swait.ge @!p0 [sflag:s8], $0x0  }
0x24: {  	s3 =	sadd.s32 $0x88, s3;
	s6 =	simm.s32 @!p1 $0x1082;
	[sflag:s4] =	ssyncset.s32 $0xFFFFF086  }
0x25: {  	[simem:s6], [sflag:s4] =	dma.local [hbm:s3], $0xF7A  }
0x26: {  	[smem:$0x3F98] =	sst s1;
	(tag) =	ssettag s2;
	_ =	strace s9  }
0x27: {  	s1 =	sld [smem:$0x3FA8]  }
0x28: {  	s2 =	sld [smem:$0x3FA9]  }
0x29: {  	s4 =	sld [smem:$0x3FAB]  }
0x2a: {  	p0 =	seq.s32 s5, $0x0;
	s5 =	sld [smem:$0x3FAC]  }
0x2b: {  	s6 =	sld [smem:$0x3FAD]  }
0x2c: {  	s7 =	sld [smem:$0x3FAE]  }
0x2d: {  	s3 =	simm.s32 $0x108;
	s8 =	sld [smem:$0x3FAF]  }
0x2e: {  	s3 =	simm.s32 @!p0 $0x1082;
	s9 =	sld [smem:$0x3FB0]  }
0x2f: {  	lr =	sadd.s32 s0, s3;
	s0 =	sld [smem:$0x3FA7]  }
0x30: {  	s3 =	sld [smem:$0x3FAA]  }
0x31: {  	[smem:$0x3FB3] =	sst s10  }
0x32: {  	s10 =	sld [smem:$0x3FB1];
	_ =	sdelay $0x3  }
0x33: {  	p0 =	seq.s32 s10, $0x1;
	s10 =	sld [smem:$0x3FB3];
	_ =	sdelay $0x3  }
0x34: {  	[smem:$0x3FB3] =	sst s10  }
0x35: {  	s10 =	sld [smem:$0x3FB2];
	_ =	sdelay $0x3  }
0x36: {  	p1 =	seq.s32 s10, $0x1;
	s10 =	sld [smem:$0x3FB3];
	_ =	sdelay $0x3  }
0x37: {  	[smem:$0x3FB3] =	sst s10  }
0x38: {  	s10 =	sld [smem:$0x3FB4]  }
0x39: {  	_ = 	snop;
	(pc) =	sbr.ind lr, $3  }
0x3a: {  	_ = 	snop  }
0x3b: {  	_ = 	snop  }
0x3c: {  	p2 =	seq.s32 s10, $0x1;
	s10 =	sld [smem:$0x3FB3]  }
0x3d: {  	_ =	shalt  }
0x3e: {  	_ =	shalt  }
0x3f: {  	_ =	shalt  }
0x40: {  	_ =	shalt  }
0x41: {  	_ =	shalt  }
0x42: {  	_ =	shalt  }
0x43: {  	_ =	shalt  }
0x44: {  	_ =	shalt  }
0x45: {  	_ =	shalt  }
0x46: {  	_ =	shalt  }
0x47: {  	_ =	shalt  }
0x48: {  	_ =	shalt  }
0x49: {  	_ =	shalt  }
0x4a: {  	_ =	shalt  }
0x4b: {  	_ =	shalt  }
0x4c: {  	_ =	shalt  }
0x4d: {  	_ =	shalt  }
0x4e: {  	_ =	shalt  }
0x4f: {  	_ =	shalt  }
0x50: {  	_ =	shalt  }
0x51: {  	_ =	shalt  }
0x52: {  	_ =	shalt  }
0x53: {  	_ =	shalt  }
0x54: {  	_ =	shalt  }
0x55: {  	_ =	shalt  }
0x56: {  	_ =	shalt  }
0x57: {  	_ =	shalt  }
0x58: {  	_ =	shalt  }
0x59: {  	_ =	shalt  }
0x5a: {  	_ =	shalt  }
0x5b: {  	_ =	shalt  }
0x5c: {  	_ =	shalt  }
0x5d: {  	_ =	shalt  }
0x5e: {  	_ =	shalt  }
0x5f: {  	_ =	shalt  }
0x60: {  	_ =	shalt  }
0x61: {  	_ =	shalt  }
0x62: {  	_ =	shalt  }
0x63: {  	_ =	shalt  }
0x64: {  	_ =	shalt  }
0x65: {  	_ =	shalt  }
0x66: {  	_ =	shalt  }
0x67: {  	_ =	shalt  }
0x68: {  	_ =	shalt  }
0x69: {  	_ =	shalt  }
0x6a: {  	_ =	shalt  }
0x6b: {  	_ =	shalt  }
0x6c: {  	_ =	shalt  }
0x6d: {  	_ =	shalt  }
0x6e: {  	_ =	shalt  }
0x6f: {  	_ =	shalt  }
0x70: {  	_ =	shalt  }
0x71: {  	_ =	shalt  }
0x72: {  	_ =	shalt  }
0x73: {  	_ =	shalt  }
0x74: {  	_ =	shalt  }
0x75: {  	_ =	shalt  }
0x76: {  	_ =	shalt  }
0x77: {  	_ =	shalt  }
0x78: {  	_ =	shalt  }
0x79: {  	_ =	shalt  }
0x7a: {  	_ =	shalt  }
0x7b: {  	_ =	shalt  }
0x7c: {  	_ =	shalt  }
0x7d: {  	_ =	shalt  }
0x7e: {  	_ =	shalt  }
0x7f: {  	_ =	shalt  }
0x80: {  	_ =	shalt  }
0x81: {  	_ =	shalt  }
0x82: {  	_ =	shalt  }
0x83: {  	_ =	shalt  }
0x84: {  	_ =	shalt  }
0x85: {  	_ =	shalt  }
0x86: {  	_ =	shalt  }
0x87: {  	_ =	shalt  }
.Lfunc_end0:
.L_simem_size_0:
called_computation_lowered:
.L_overlay_start_0:
0x88: {  	s2 =	sld [smem:$0x3FD9]  }
0x89: {  	s3 =	sld [smem:$0x3FFE];
	_ =	sdelay $0x1  }
0x8a: {  	s1 =	srdreg.scid  }
0x8b: {  	s0 =	sand.u32 $0x1, s1  }
0x8c: {  	s14 =	sshll.u32 s0, $0xA;
	s2 =	sadd.s32 s3, s2  }
0x8d: {  	s2 =	sadd.s32 s2, s14  }
0x8e: {  	[smem:$0x3FBF] =	sst s2  }
0x8f: {  	_ = 	snop  }
0x90: {  	s2 =	sld [smem:$0x3FD0];
	_ =	sdelay $0x2  }
0x91: {  	s15 =	simm.s32 $0xA;
	s4 =	simm.s32 $0x10  }
0x92: {  	[smem:s4], [sflag:s15] =	dma.local [hbm:s2], $0x1  }
0x93: {  	_ =	swait.eq [sflag:s15], $0x1  }
0x94: {  	[sflag:s15] =	ssyncset.done $0x0  }
0x95: {  	s16 =	sld [smem:$0x10];
	[sflag:s15] =	ssyncadd.s32 $0xFFFFFFFF  }
0x96: {  	s17 =	sld [smem:$0x11];
	(tm) =	ssettm $0x1  }
0x97: {  	s18 =	sld [smem:$0x3FFB];
	_ =	sdelay $0x3  }
0x98: {  	_ =	strace s18  }
0x99: {  	s4 =	sld [smem:$0x3FFC];
	_ =	sdelay $0x3  }
0x9a: {  	_ =	strace s4  }
0x9b: {  	s4 =	sld [smem:$0x3FFD];
	_ =	sdelay $0x3  }
0x9c: {  	_ =	strace s4  }
0x9d: {  	_ =	strace $0x8FFFFFFF  }
0x9e: {  	s19 =	sld [smem:$0x3FDB];
	_ =	sdelay $0x1  }
0x9f: {  	s5 =	simm.s32 $_scs_section_size  }
0xa0: {  	s6 =	simm.s32 $_size__tile_overlayer_lowered;
	s7 =	simm.s32 $_tile_overlayer_lowered  }
0xa1: {  	s22 =	simm.s32 $0x1BFF;
	s21 =	sshll.u32 s7, $0x1;
	s4 =	sadd.s32 s5, s19  }
0xa2: {  	s8 =	simm.s32 $0x0;
	s20 =	sshll.u32 s6, $0x1;
	s6 =	sadd.s32 s21, s4  }
0xa3: {  	[timem:s8], [sflag:s22] =	dma.local [hbm:s6], s20  }
0xa4: {  	_ =	swait.ge [sflag:s22], s20  }
0xa5: {  	s5 =	ssub.s32 $0x0, s20;
	[sflag:s22] =	ssyncset.done $0x0  }
0xa6: {  	[sflag:s22] =	ssyncadd.s32 s5;
	_ =	sdelay $0x1  }
0xa7: {  	s23 =	simm.s32 $0x1B8B  }
0xa8: {  	_ =	swait.ge [sflag:s23], $0x1  }
0xa9: {  	[sflag:s23] =	ssyncset.done $0x0  }
0xaa: {  	s25 =	simm.s32 $0x1B8E;
	s24 =	sld [smem:$0x3FFE];
	[sflag:s23] =	ssyncadd.s32 $0xFFFFFFFF  }
0xab: {  	s26 =	simm.s32 $execute0_lowered;
	[smem:$0x3FD2] =	sst s25  }
0xac: {  	s6 =	sshll.u32 s26, $0x1;
	_ =	strace $0x80000046;
	[dreg:$0x1] =	wrdreg $0xFFFFFFFF  }
0xad: {  	s28 =	simm.s32 $_size_execute0_lowered;
	s4 =	sadd.s32 s4, s6;
	[dreg:$0x0] =	wrdreg $0x0  }
0xae: {  	s6 =	sshll.u32 s28, $0x1;
	[dreg:$0x2] =	wrdreg s4  }
0xaf: {  	[dreg:$0x3] =	wrdreg s6  }
0xb0: {  	[dreg:$0x4] =	wrdreg $0xC0  }
0xb1: {  	_ =	task [dreg:s8], $0x5FFFF  }
0xb2: {  	[dreg:$0x1] =	wrdreg $0xFFFFFFFF  }
0xb3: {  	[dreg:$0x0] =	wrdreg $0x60  }
0xb4: {  	[dreg:$0x2] =	wrdreg s16  }
0xb5: {  	[dreg:$0x3] =	wrdreg s17  }
0xb6: {  	[dreg:$0x4] =	wrdreg s24  }
0xb7: {  	[dreg:$0x5] =	wrdreg $0x9  }
0xb8: {  	_ =	task.clear_ibuf [dreg:s8], $0x6FFFF;
	_ =	strace $0x90000046  }
0xb9: {  	s29 =	simm.s32 $0x9;
	_ =	strace $0x80000048  }
0xba: {  	_ =	swait.ge [sflag:s29], $0x1  }
0xbb: {  	[sflag:s29] =	ssyncadd.s32 $0xFFFFFFFF  }
0xbc: {  	_ =	strace $0x90000048  }
0xbd: {  	_ =	sfence  }
0xbe: {  	s30 =	sld [smem:$0x0];
	_ =	sdelay $0x2  }
0xbf: {  	s31 =	sshll.u32 s1, $0xD;
	s1 =	sshrl.u32 s1, $0x2  }
0xc0: {  	s3 =	sand.u32 $0x4000, s31;
	s1 =	sadd.s32 s1, s30  }
0xc1: {  	s0 =	sor.u32 s3, s0;
	s1 =	sshll.u32 s1, $0x11  }
0xc2: {  	s0 =	sor.u32 s1, s0  }
0xc3: {  	s0 =	sadd.s32 $0x8F2B, s0  }
0xc4: {  	[sflag:s0] =	ssyncadd.remote.s32 $0x1  }
0xc5: {  	_ =	sfence.sel $0xFFFF  }
0xc6: {  	[dreg:$0x0] =	wrdreg $0xFFFFFFFF;
	(pc) =	sbr.abs _section_cstart, $3  }
0xc7: {  	[dreg:$0x1] =	wrdreg $0xFFFFFFFF  }
0xc8: {  	_ =	task.clear_ibuf [dreg:s8], $0x2FFFF;
	_ =	strace $0x9FFFFFFF  }
0xc9: {  	(tm) =	ssettm $0x7FFFFFFF  }
tec
execute0_lowered:
.L_overlay_start_1:
0x0: {  	(tag) =	ssettag $0x1  }
0x1: {  	s1 =	rddreg [dreg:$0x0]  }
0x2: {  	s2 =	srdreg.scid;
	s0 =	stileid.u32  }
0x3: {  	s4 =	rddreg [dreg:$0x1];
	s6 =	sand.u32 $0x1, s2;
	s30 =	sshll.u32 s0, $0x1  }
0x4: {  	s8 =	rddreg [dreg:$0x2];
	s3 =	simm.s32 $0x0;
	s7 =	sor.u32 s6, s30  }
0x5: {  	[smem:$0x7FF] =	sst s3;
	s5 =	smul.u32 $0x280, s7  }
0x6: {  	s2 =	rddreg [dreg:$0x3];
	_ =	strace $0x80000047;
	s10 =	ssub.s32 $0x2, s6  }
0x7: {  	s6 =	simm.s32 $0x1400;
	s5 =	sadd.s32 s4, s5;
	s4 =	simm.s32 $0x2  }
0x8: {  	[tilespmem:s3], [sflag:$0x2] =	stream.linear.gather [hbm4b:s5+s3], $0x1400, $0x38;
	[tilespmem:$0x15400] =	vst v63  }
0x9: {  	s9 =	smul.u32 $0x2800, s7;
	s11 =	sshrl.u32 s10, $0x1;
	_ =	swait.ge [sflag:s4], $0x1400  }
0xa: {  	s7 =	simm.s32 $0x1;
	s31 =	ssub.s32 s10, s11;
	[sflag:s4] =	ssyncset.done $0x0  }
0xb: {  	s8 =	sadd.s32 s9, s8;
	s9 =	smax.u32 s31, $0x1;
	[sflag:s4] =	ssyncadd.s32 $0xFFFFEC00  }
0xc: {  	[tilespmem:s6], [sflag:$0x1] =	stream.indirect.gather [hbm4b:s1+s6], $0x10, s3, s6, $0xb8;
	[tilespmem:$0x15400] =	vst v63  }
0xd: {  	p0 =	sne.s32 s9, $0x1;
	_ =	swait.ge [sflag:s7], $0x14000  }
.Ltmp0:
0xe: {  	[sflag:s7] =	ssyncset.done $0x0;
	(pc) =	sbr.rel @!p0 .LBB2_2-.Ltmp0, $4  }
0xf: {  	s8 =	sadd.s32 $0x2C00, s8;
	[sflag:s7] =	ssyncadd.s32 $0xFFFEC000  }
0x10: {  	[hbm4b:s8+s3] =	stream.linear.scatter [tilespmem:s6], [sflag:$0x2], $0x14000, $0x38;
	[tilespmem:$0x15400] =	vst v63  }
0x11: {  	_ =	swait.ge [sflag:s4], $0x14000  }
0x12: {  	s9 =	sadd.s32 $0xFFFFFFFF, s9;
	[sflag:s4] =	ssyncset.done $0x0  }
.LBB2_1:
0x13: {  	p0 =	sne.s32 s9, $0x1;
	s9 =	sadd.s32 $0xFFFFFFFF, s9;
	[sflag:s4] =	ssyncadd.s32 $0xFFFEC000  }
0x14: {  	[tilespmem:s3], [sflag:$0x2] =	stream.linear.gather [hbm4b:s5+s3], $0x1400, $0x38;
	[tilespmem:$0x15400] =	vst v63  }
0x15: {  	_ =	swait.ge [sflag:s4], $0x1400  }
0x16: {  	[sflag:s4] =	ssyncset.done $0x0  }
0x17: {  	[sflag:s4] =	ssyncadd.s32 $0xFFFFEC00  }
0x18: {  	[tilespmem:s6], [sflag:$0x1] =	stream.indirect.gather [hbm4b:s1+s6], $0x10, s3, s6, $0xb8;
	[tilespmem:$0x15400] =	vst v63  }
0x19: {  	_ =	swait.ge [sflag:s7], $0x14000  }
.Ltmp1:
0x1a: {  	[sflag:s7] =	ssyncset.done $0x0;
	(pc) =	sbr.rel @p0 .LBB2_1-.Ltmp1, $4  }
0x1b: {  	[sflag:s7] =	ssyncadd.s32 $0xFFFEC000  }
0x1c: {  	[hbm4b:s8+s3] =	stream.linear.scatter [tilespmem:s6], [sflag:$0x2], $0x14000, $0x38;
	[tilespmem:$0x15400] =	vst v63  }
0x1d: {  	_ =	swait.ge [sflag:s4], $0x14000  }
0x1e: {  	[sflag:s4] =	ssyncset.done $0x0  }
.LBB2_2:
0x1f: {  	[sflag:s4] =	ssyncadd.s32 $0xFFFEC000  }
0x20: {  	_ =	sfence.sel $0x180000  }
0x21: {  	[bflag:$0x0] =	sbarrier.arrive $0xFFFF  }
0x22: {  	p0 =	sne.s32 s0, $0x0;
	_ =	strace $0x90000047  }
0x23: {  	s0 =	sadd.s32 @!p0 $0x100000, s2;
	[bflag:$0x2] =	sbarrier.arrive $0xFFFF  }
0x24: {  	[sflag:s0] =	ssyncadd.tile.s32 @!p0 $0x1;
	_ =	shalt  }
.Lfunc_end2:
_tile_overlayer_lowered:
.L_overlay_start_2:
0x25: {  	(tag) =	ssettag $0x2  }
0x26: {  	s0 =	rddreg [dreg:$0x0];
	s2 =	stileid.u32  }
0x27: {  	s1 =	rddreg [dreg:$0x1];
	p0 =	sne.s32 s2, $0x0  }
0x28: {  	s3 =	rddreg [dreg:$0x2];
	[bflag:$0x3] =	sbarrier.arrive $0xFFFF;
	s2 =	simm.s32 @!p0 $0x1C02  }
0x29: {  	[timem:s3], [sflag:s2] =	dma.local @!p0 [hbm:s0], s1  }
0x2a: {  	s0 =	simm.s32 @!p0 $0x2  }
0x2b: {  	_ =	swait.ge @!p0 [sflag:s0], s1  }
0x2c: {  	s1 =	ssub.s32 @!p0 $0x0, s1;
	[sflag:s0] =	ssyncset.done @!p0 $0x0  }
0x2d: {  	[sflag:s0] =	ssyncadd.s32 @!p0 s1  }
0x2e: {  	[bflag:$0x3] =	sbarrier.arrive $0xFFFF  }
0x2f: {  	_ =	shalt  }

// kernel: kernel.9.cloned.1.call-start
scs
__scs_entry_jumppad:
0x0: {  	(pc) =	sbr.rel $0x88, $3  }
0x1: {  	(tag) =	ssettag $0x0;
	lr =	simm.s32 $0x1  }
0x2: {  	[smem:$0x3F98] =	sst lr;
	_ =	strace $0xD0000000  }
0x3: {  	_ = 	snop  }
0x4: {  	_ = 	snop  }
0x5: {  	_ = 	snop  }
0x6: {  	_ = 	snop  }
0x7: {  	_ = 	snop  }
__scs_overlays_trampoline_lowered:
0x8: {  	[smem:$0x3FA7] =	sst s0  }
0x9: {  	[smem:$0x3FA8] =	sst s1  }
0xa: {  	[smem:$0x3FA9] =	sst s2  }
0xb: {  	[smem:$0x3FAA] =	sst s3  }
0xc: {  	[smem:$0x3FAB] =	sst s4  }
0xd: {  	[smem:$0x3FAC] =	sst s5  }
0xe: {  	[smem:$0x3FAD] =	sst s6  }
0xf: {  	[smem:$0x3FAE] =	sst s7  }
0x10: {  	[smem:$0x3FAF] =	sst s8  }
0x11: {  	[smem:$0x3FB0] =	sst s9;
	s0 =	simm.s32 @!p0 $0x0  }
0x12: {  	s1 =	sld [smem:$0x3F96];
	s0 =	simm.s32 @p0 $0x1  }
0x13: {  	[smem:$0x3FB1] =	sst s0;
	s0 =	simm.s32 @!p1 $0x0  }
0x14: {  	s2 =	sld [smem:$0x3F95];
	s0 =	simm.s32 @p1 $0x1  }
0x15: {  	[smem:$0x3FB2] =	sst s0;
	s0 =	simm.s32 @!p2 $0x0  }
0x16: {  	s3 =	sld [smem:$0x3FDB];
	s0 =	simm.s32 @p2 $0x1  }
0x17: {  	s4 =	simm.s32 $0x1BF5;
	[smem:$0x3FB4] =	sst s0  }
0x18: {  	s0 =	sld [smem:$0x3F97];
	_ =	swait.ge [sflag:s4], $0x0  }
0x19: {  	s7 =	sld [smem:$0x3F98]  }
0x1a: {  	s8 =	sadd.s32 $0xFFFFE003, lr  }
0x1b: {  	s9 =	sadd.s32 $0xFFFFFEF7, lr;
	s5 =	simm.s32 $0xFFFFFFFF;
	p2 =	slt.u32 s8, $0xFFFFF086  }
0x1c: {  	p1 =	slt.u32 s9, $0xF7A;
	s5 =	simm.s32 @!p2 $0x0  }
0x1d: {  	s5 =	simm.s32 @p1 $0x1;
	p0 =	seq.s32 s7, s2  }
0x1e: {  	s7 =	smul.u32 @!p0 $0xF7A, s2;
	p2 =	seq.s32 @!p0 s5, $0x0  }
0x1f: {  	s9 =	smul.u32 $0xF7A, s1;
	s8 =	simm.s32 @!p0 $0x1BF5;
	p2 =	por !p2, p0  }
0x20: {  	[sflag:s8] =	ssyncset.s32 @!p0 $0xFFFFF086;
	s6 =	sadd.s32 @!p0 s3, s7;
	s7 =	simm.s32 @!p0 $0x108  }
0x21: {  	s3 =	sadd.s32 s3, s9;
	s6 =	sadd.s32 @!p0 $0x88, s6;
	s7 =	simm.s32 @p2 $0x1082  }
0x22: {  	[simem:s7], [sflag:s8] =	dma.local @!p0 [hbm:s6], $0xF7A  }
0x23: {  	s9 =	sor.u32 $0xD0000000, s2;
	s6 =	simm.s32 $0x108;
	_ =	swait.ge @!p0 [sflag:s8], $0x0  }
0x24: {  	s3 =	sadd.s32 $0x88, s3;
	s6 =	simm.s32 @!p1 $0x1082;
	[sflag:s4] =	ssyncset.s32 $0xFFFFF086  }
0x25: {  	[simem:s6], [sflag:s4] =	dma.local [hbm:s3], $0xF7A  }
0x26: {  	[smem:$0x3F98] =	sst s1;
	(tag) =	ssettag s2;
	_ =	strace s9  }
0x27: {  	s1 =	sld [smem:$0x3FA8]  }
0x28: {  	s2 =	sld [smem:$0x3FA9]  }
0x29: {  	s4 =	sld [smem:$0x3FAB]  }
0x2a: {  	p0 =	seq.s32 s5, $0x0;
	s5 =	sld [smem:$0x3FAC]  }
0x2b: {  	s6 =	sld [smem:$0x3FAD]  }
0x2c: {  	s7 =	sld [smem:$0x3FAE]  }
0x2d: {  	s3 =	simm.s32 $0x108;
	s8 =	sld [smem:$0x3FAF]  }
0x2e: {  	s3 =	simm.s32 @!p0 $0x1082;
	s9 =	sld [smem:$0x3FB0]  }
0x2f: {  	lr =	sadd.s32 s0, s3;
	s0 =	sld [smem:$0x3FA7]  }
0x30: {  	s3 =	sld [smem:$0x3FAA]  }
0x31: {  	[smem:$0x3FB3] =	sst s10  }
0x32: {  	s10 =	sld [smem:$0x3FB1];
	_ =	sdelay $0x3  }
0x33: {  	p0 =	seq.s32 s10, $0x1;
	s10 =	sld [smem:$0x3FB3];
	_ =	sdelay $0x3  }
0x34: {  	[smem:$0x3FB3] =	sst s10  }
0x35: {  	s10 =	sld [smem:$0x3FB2];
	_ =	sdelay $0x3  }
0x36: {  	p1 =	seq.s32 s10, $0x1;
	s10 =	sld [smem:$0x3FB3];
	_ =	sdelay $0x3  }
0x37: {  	[smem:$0x3FB3] =	sst s10  }
0x38: {  	s10 =	sld [smem:$0x3FB4]  }
0x39: {  	_ = 	snop;
	(pc) =	sbr.ind lr, $3  }
0x3a: {  	_ = 	snop  }
0x3b: {  	_ = 	snop  }
0x3c: {  	p2 =	seq.s32 s10, $0x1;
	s10 =	sld [smem:$0x3FB3]  }
0x3d: {  	_ =	shalt  }
0x3e: {  	_ =	shalt  }
0x3f: {  	_ =	shalt  }
0x40: {  	_ =	shalt  }
0x41: {  	_ =	shalt  }
0x42: {  	_ =	shalt  }
0x43: {  	_ =	shalt  }
0x44: {  	_ =	shalt  }
0x45: {  	_ =	shalt  }
0x46: {  	_ =	shalt  }
0x47: {  	_ =	shalt  }
0x48: {  	_ =	shalt  }
0x49: {  	_ =	shalt  }
0x4a: {  	_ =	shalt  }
0x4b: {  	_ =	shalt  }
0x4c: {  	_ =	shalt  }
0x4d: {  	_ =	shalt  }
0x4e: {  	_ =	shalt  }
0x4f: {  	_ =	shalt  }
0x50: {  	_ =	shalt  }
0x51: {  	_ =	shalt  }
0x52: {  	_ =	shalt  }
0x53: {  	_ =	shalt  }
0x54: {  	_ =	shalt  }
0x55: {  	_ =	shalt  }
0x56: {  	_ =	shalt  }
0x57: {  	_ =	shalt  }
0x58: {  	_ =	shalt  }
0x59: {  	_ =	shalt  }
0x5a: {  	_ =	shalt  }
0x5b: {  	_ =	shalt  }
0x5c: {  	_ =	shalt  }
0x5d: {  	_ =	shalt  }
0x5e: {  	_ =	shalt  }
0x5f: {  	_ =	shalt  }
0x60: {  	_ =	shalt  }
0x61: {  	_ =	shalt  }
0x62: {  	_ =	shalt  }
0x63: {  	_ =	shalt  }
0x64: {  	_ =	shalt  }
0x65: {  	_ =	shalt  }
0x66: {  	_ =	shalt  }
0x67: {  	_ =	shalt  }
0x68: {  	_ =	shalt  }
0x69: {  	_ =	shalt  }
0x6a: {  	_ =	shalt  }
0x6b: {  	_ =	shalt  }
0x6c: {  	_ =	shalt  }
0x6d: {  	_ =	shalt  }
0x6e: {  	_ =	shalt  }
0x6f: {  	_ =	shalt  }
0x70: {  	_ =	shalt  }
0x71: {  	_ =	shalt  }
0x72: {  	_ =	shalt  }
0x73: {  	_ =	shalt  }
0x74: {  	_ =	shalt  }
0x75: {  	_ =	shalt  }
0x76: {  	_ =	shalt  }
0x77: {  	_ =	shalt  }
0x78: {  	_ =	shalt  }
0x79: {  	_ =	shalt  }
0x7a: {  	_ =	shalt  }
0x7b: {  	_ =	shalt  }
0x7c: {  	_ =	shalt  }
0x7d: {  	_ =	shalt  }
0x7e: {  	_ =	shalt  }
0x7f: {  	_ =	shalt  }
0x80: {  	_ =	shalt  }
0x81: {  	_ =	shalt  }
0x82: {  	_ =	shalt  }
0x83: {  	_ =	shalt  }
0x84: {  	_ =	shalt  }
0x85: {  	_ =	shalt  }
0x86: {  	_ =	shalt  }
0x87: {  	_ =	shalt  }
.Lfunc_end0:
.L_simem_size_0:
called_computation.1_lowered:
.L_overlay_start_0:
0x88: {  	s2 =	sld [smem:$0x3FD9]  }
0x89: {  	s3 =	sld [smem:$0x3FFE];
	_ =	sdelay $0x1  }
0x8a: {  	s1 =	srdreg.scid  }
0x8b: {  	s0 =	sand.u32 $0x1, s1  }
0x8c: {  	s14 =	sshll.u32 s0, $0xA;
	s2 =	sadd.s32 s3, s2  }
0x8d: {  	s2 =	sadd.s32 s2, s14  }
0x8e: {  	[smem:$0x3FBF] =	sst s2  }
0x8f: {  	_ = 	snop  }
0x90: {  	s2 =	sld [smem:$0x3FD0];
	_ =	sdelay $0x2  }
0x91: {  	s15 =	simm.s32 $0xA;
	s4 =	simm.s32 $0x10  }
0x92: {  	[smem:s4], [sflag:s15] =	dma.local [hbm:s2], $0x1  }
0x93: {  	_ =	swait.eq [sflag:s15], $0x1  }
0x94: {  	s16 =	sld [smem:$0x10];
	[sflag:s15] =	ssyncset.done $0x0  }
0x95: {  	s17 =	sld [smem:$0x11];
	[sflag:s15] =	ssyncadd.s32 $0xFFFFFFFF  }
0x96: {  	s18 =	sld [smem:$0x12];
	(tm) =	ssettm $0x1  }
0x97: {  	s5 =	sld [smem:$0x3FFB];
	_ =	sdelay $0x3  }
0x98: {  	_ =	strace s5  }
0x99: {  	s5 =	sld [smem:$0x3FFC];
	_ =	sdelay $0x3  }
0x9a: {  	_ =	strace s5  }
0x9b: {  	s5 =	sld [smem:$0x3FFD];
	_ =	sdelay $0x3  }
0x9c: {  	_ =	strace s5  }
0x9d: {  	_ =	strace $0x8FFFFFFF  }
0x9e: {  	s19 =	sld [smem:$0x3FDB];
	_ =	sdelay $0x1  }
0x9f: {  	s6 =	simm.s32 $_scs_section_size  }
0xa0: {  	s7 =	simm.s32 $_size__tile_overlayer_lowered;
	s8 =	simm.s32 $_tile_overlayer_lowered  }
0xa1: {  	s22 =	simm.s32 $0x1BFF;
	s21 =	sshll.u32 s8, $0x1;
	s5 =	sadd.s32 s6, s19  }
0xa2: {  	s9 =	simm.s32 $0x0;
	s20 =	sshll.u32 s7, $0x1;
	s7 =	sadd.s32 s21, s5  }
0xa3: {  	[timem:s9], [sflag:s22] =	dma.local [hbm:s7], s20  }
0xa4: {  	_ =	swait.ge [sflag:s22], s20  }
0xa5: {  	s6 =	ssub.s32 $0x0, s20;
	[sflag:s22] =	ssyncset.done $0x0  }
0xa6: {  	[sflag:s22] =	ssyncadd.s32 s6;
	_ =	sdelay $0x1  }
0xa7: {  	s23 =	simm.s32 $0x1B8B  }
0xa8: {  	_ =	swait.ge [sflag:s23], $0x1  }
0xa9: {  	[sflag:s23] =	ssyncset.done $0x0  }
0xaa: {  	s25 =	simm.s32 $0x1B8E;
	s24 =	sld [smem:$0x3FFE];
	[sflag:s23] =	ssyncadd.s32 $0xFFFFFFFF  }
0xab: {  	s26 =	simm.s32 $execute0_lowered;
	[smem:$0x3FD2] =	sst s25  }
0xac: {  	s7 =	sshll.u32 s26, $0x1;
	_ =	strace $0x80000049;
	[dreg:$0x1] =	wrdreg $0xFFFFFFFF  }
0xad: {  	s28 =	simm.s32 $_size_execute0_lowered;
	s5 =	sadd.s32 s5, s7;
	[dreg:$0x0] =	wrdreg $0x0  }
0xae: {  	s7 =	sshll.u32 s28, $0x1;
	[dreg:$0x2] =	wrdreg s5  }
0xaf: {  	[dreg:$0x3] =	wrdreg s7  }
0xb0: {  	[dreg:$0x4] =	wrdreg $0xC0  }
0xb1: {  	_ =	task [dreg:s9], $0x5FFFF  }
0xb2: {  	[dreg:$0x1] =	wrdreg $0xFFFFFFFF  }
0xb3: {  	[dreg:$0x0] =	wrdreg $0x60  }
0xb4: {  	[dreg:$0x2] =	wrdreg s24  }
0xb5: {  	[dreg:$0x3] =	wrdreg s17  }
0xb6: {  	[dreg:$0x4] =	wrdreg s16  }
0xb7: {  	[dreg:$0x5] =	wrdreg s18  }
0xb8: {  	[dreg:$0x6] =	wrdreg $0x154000  }
0xb9: {  	[dreg:$0x7] =	wrdreg $0x17B400  }
0xba: {  	[dreg:$0x8] =	wrdreg $0x9  }
0xbb: {  	_ =	task.clear_ibuf [dreg:s9], $0x9FFFF;
	_ =	strace $0x90000049  }
0xbc: {  	s29 =	simm.s32 $0x9;
	_ =	strace $0x8000004B  }
0xbd: {  	_ =	swait.ge [sflag:s29], $0x1  }
0xbe: {  	[sflag:s29] =	ssyncadd.s32 $0xFFFFFFFF  }
0xbf: {  	_ =	strace $0x9000004B  }
0xc0: {  	_ =	sfence  }
0xc1: {  	s30 =	sld [smem:$0x0];
	_ =	sdelay $0x2  }
0xc2: {  	s31 =	sshll.u32 s1, $0xD;
	s1 =	sshrl.u32 s1, $0x2  }
0xc3: {  	s3 =	sand.u32 $0x4000, s31;
	s1 =	sadd.s32 s1, s30  }
0xc4: {  	s0 =	sor.u32 s3, s0;
	s1 =	sshll.u32 s1, $0x11  }
0xc5: {  	s0 =	sor.u32 s1, s0  }
0xc6: {  	s0 =	sadd.s32 $0x8F2B, s0  }
0xc7: {  	[sflag:s0] =	ssyncadd.remote.s32 $0x1  }
0xc8: {  	_ =	sfence.sel $0xFFFF  }
0xc9: {  	[dreg:$0x0] =	wrdreg $0xFFFFFFFF;
	(pc) =	sbr.abs _section_cstart, $3  }
0xca: {  	[dreg:$0x1] =	wrdreg $0xFFFFFFFF  }
0xcb: {  	_ =	task.clear_ibuf [dreg:s9], $0x2FFFF;
	_ =	strace $0x9FFFFFFF  }
0xcc: {  	(tm) =	ssettm $0x7FFFFFFF  }
0xcd: {  	_ =	shalt  }
tec
execute0_lowered:
.L_overlay_start_1:
0x0: {  	(tag) =	ssettag $0x1  }
0x1: {  	s20 =	rddreg [dreg:$0x0]  }
0x2: {  	s1 =	rddreg [dreg:$0x1]  }
0x3: {  	s2 =	rddreg [dreg:$0x2]  }
0x4: {  	s18 =	rddreg [dreg:$0x3]  }
0x5: {  	s4 =	rddreg [dreg:$0x4]  }
0x6: {  	s5 =	rddreg [dreg:$0x5];
	s3 =	stileid.u32  }
0x7: {  	s0 =	rddreg [dreg:$0x6];
	s6 =	simm.s32 $0x0;
	s10 =	smul.u32 $0x2740, s3  }
0x8: {  	s11 =	srdreg.scid;
	[smem:$0x7FF] =	sst s6  }
0x9: {  	s7 =	sshll.u32 s3, $0x6;
	_ =	strace $0x8000004A;
	s8 =	sadd.s32 s10, s4  }
0xa: {  	s7 =	sor.u32 $0x1C01, s7;
	s9 =	sshrl.u32 s8, $0x3;
	s8 =	simm.s32 $0x1  }
0xb: {  	[spmem:s9], [sflag:s7] =	dma.local [hbm:s1], $0x4E8  }
0xc: {  	s19 =	sand.u32 $0x1, s11;
	s26 =	sshll.u32 s3, $0x1;
	_ =	swait.ge [sflag:s8], $0x4E8  }
0xd: {  	s15 =	sor.u32 s19, s26;
	s10 =	sadd.s32 s10, s5;
	[sflag:s8] =	ssyncset.done $0x0  }
0xe: {  	s12 =	smul.u32 $0x1400, s15;
	s10 =	sshrl.u32 s10, $0x3;
	[sflag:s8] =	ssyncadd.s32 $0xFFFFFB18  }
0xf: {  	[spmem:s10], [sflag:s7] =	dma.local [hbm:s1], $0x4E8  }
0x10: {  	_ =	swait.ge [sflag:s8], $0x4E8  }
0x11: {  	s13 =	sadd.s32 $0x52C00, s20;
	s28 =	sshrl.u32 s12, $0x3;
	[sflag:s8] =	ssyncset.done $0x0  }
0x12: {  	s11 =	sadd.s32 s13, s28;
	[sflag:s8] =	ssyncadd.s32 $0xFFFFFB18  }
0x13: {  	[tilespmem:s6], [sflag:$0x1] =	stream.linear.gather [hbm4b:s11+s6], $0xA00, $0x38;
	[tilespmem:$0x1A280] =	vst v63  }
0x14: {  	s17 =	sadd.s32 $0xA00, s12;
	_ =	swait.ge [sflag:s8], $0xA00  }
0x15: {  	s12 =	sshrl.u32 s17, $0x3;
	[sflag:s8] =	ssyncset.done $0x0  }
0x16: {  	s12 =	sadd.s32 s13, s12;
	s13 =	simm.s32 $0xA00;
	[sflag:s8] =	ssyncadd.s32 $0xFFFFF600  }
0x17: {  	[tilespmem:s13], [sflag:$0x1] =	stream.linear.gather [hbm4b:s12+s6], $0xA00, $0x38;
	[tilespmem:$0x1A280] =	vst v63  }
0x18: {  	_ =	swait.ge [sflag:s8], $0xA00  }
0x19: {  	[sflag:s8] =	ssyncset.done $0x0  }
0x1a: {  	s14 =	simm.s32 $0xB400;
	[sflag:s8] =	ssyncadd.s32 $0xFFFFF600  }
0x1b: {  	[tilespmem:s14], [sflag:$0x1] =	stream.linear.gather [hbm4b:s2+s6], $0xA000, $0x38;
	[tilespmem:$0x1A280] =	vst v63  }
0x1c: {  	_ =	swait.ge [sflag:s8], $0xA000  }
0x1d: {  	s15 =	smul.u32 $0x2800, s15;
	[sflag:s8] =	ssyncset.done $0x0  }
0x1e: {  	s21 =	sadd.s32 $0x57C00, s20;
	[sflag:s8] =	ssyncadd.s32 $0xFFFF6000  }
0x1f: {  	s16 =	simm.s32 $0x1400;
	s15 =	sadd.s32 s21, s15;
	[bflag:$0x0] =	sbarrier.arrive $0xFFFF  }
0x20: {  	[tilespmem:s16], [sflag:$0x1] =	stream.linear.gather [hbm4b:s15+s6], $0xA000, $0x38;
	[tilespmem:$0x1A280] =	vst v63  }
0x21: {  	_ =	swait.ge [sflag:s8], $0xA000  }
0x22: {  	[sflag:s8] =	ssyncset.done $0x0  }
0x23: {  	[sflag:s8] =	ssyncadd.s32 $0xFFFF6000  }
0x24: {  	[spmem:s4] =	stream.indirect.scatter.add.f32 [tilespmem:s16], [sflag:$0x1], $0x10, s6, s13, $0xb8;
	[tilespmem:$0x1A280] =	vst v63  }
0x25: {  	_ =	swait.ge [sflag:s8], $0xA000  }
0x26: {  	s17 =	sshll.u32 s17, $0x1;
	[sflag:s8] =	ssyncset.done $0x0  }
0x27: {  	s17 =	sadd.s32 s21, s17;
	[sflag:s8] =	ssyncadd.s32 $0xFFFF6000  }
0x28: {  	[tilespmem:s16], [sflag:$0x1] =	stream.linear.gather [hbm4b:s17+s6], $0xA000, $0x38;
	[tilespmem:$0x1A280] =	vst v63  }
0x29: {  	_ =	swait.ge [sflag:s8], $0xA000  }
0x2a: {  	[sflag:s8] =	ssyncset.done $0x0  }
0x2b: {  	[sflag:s8] =	ssyncadd.s32 $0xFFFF6000  }
0x2c: {  	[spmem:s4] =	stream.indirect.scatter.add.f32 [tilespmem:s16], [sflag:$0x1], $0x10, s13, s13, $0xb8;
	[tilespmem:$0x1A280] =	vst v63  }
0x2d: {  	_ =	swait.ge [sflag:s8], $0xA000  }
0x2e: {  	[sflag:s8] =	ssyncset.done $0x0  }
0x2f: {  	[sflag:s8] =	ssyncadd.s32 $0xFFFF6000  }
0x30: {  	[spmem:s5] =	stream.indirect.scatter.add.f32 [tilespmem:s14], [sflag:$0x1], $0x10, s6, s13, $0xb8;
	[tilespmem:$0x1A280] =	vst v63  }
0x31: {  	_ =	swait.ge [sflag:s8], $0xA000  }
0x32: {  	s29 =	smul.u32 $0x2710, s3;
	s23 =	ssub.s32 $0x2, s19;
	[sflag:s8] =	ssyncset.done $0x0  }
0x33: {  	s22 =	smul.u32 $0x27100, s19;
	s24 =	sshrl.u32 s23, $0x1;
	[sflag:s8] =	ssyncadd.s32 $0xFFFF6000  }
0x34: {  	[spmem:s5] =	stream.indirect.scatter.add.f32 [tilespmem:s14], [sflag:$0x1], $0x10, s13, s13, $0xb8;
	[tilespmem:$0x1A280] =	vst v63  }
0x35: {  	s30 =	sadd.s32 s29, s4;
	s22 =	sadd.s32 s29, s22;
	_ =	swait.ge [sflag:s8], $0xA000  }
0x36: {  	s19 =	sshrl.u32 s30, $0x3;
	s22 =	sshrl.u32 s22, $0x3;
	[sflag:s8] =	ssyncset.done $0x0  }
0x37: {  	s31 =	ssub.s32 s23, s24;
	s18 =	sadd.s32 s18, s22;
	[sflag:s8] =	ssyncadd.s32 $0xFFFF6000  }
0x38: {  	s20 =	sadd.s32 s22, s20;
	s22 =	smax.u32 s31, $0x1;
	[bflag:$0x0] =	sbarrier.arrive $0xFFFF  }
0x39: {  	[hbm:s18], [sflag:s7] =	dma.local [spmem:s19], $0x4E2  }
0x3a: {  	p0 =	sne.s32 s22, $0x1;
	_ =	swait.ge [sflag:s8], $0x4E2  }
.Ltmp0:
0x3b: {  	s21 =	sadd.s32 s29, s5;
	[sflag:s8] =	ssyncset.done $0x0;
	(pc) =	sbr.rel @!p0 .LBB2_2-.Ltmp0, $4  }
0x3c: {  	s20 =	sadd.s32 $0x2C00, s20;
	s21 =	sshrl.u32 s21, $0x3;
	[sflag:s8] =	ssyncadd.s32 $0xFFFFFB1E  }
0x3d: {  	[hbm:s20], [sflag:s7] =	dma.local [spmem:s21], $0x4E2  }
0x3e: {  	_ =	swait.ge [sflag:s8], $0x4E2  }
0x3f: {  	s22 =	sadd.s32 $0xFFFFFFFF, s22;
	[sflag:s8] =	ssyncset.done $0x0  }
.LBB2_1:
0x40: {  	p0 =	sne.s32 s22, $0x1;
	s22 =	sadd.s32 $0xFFFFFFFF, s22;
	[sflag:s8] =	ssyncadd.s32 $0xFFFFFB1E  }
0x41: {  	[spmem:s9], [sflag:s7] =	dma.local [hbm:s1], $0x4E8  }
0x42: {  	_ =	swait.ge [sflag:s8], $0x4E8  }
0x43: {  	[sflag:s8] =	ssyncset.done $0x0  }
0x44: {  	[sflag:s8] =	ssyncadd.s32 $0xFFFFFB18  }
0x45: {  	[spmem:s10], [sflag:s7] =	dma.local [hbm:s1], $0x4E8  }
0x46: {  	_ =	swait.ge [sflag:s8], $0x4E8  }
0x47: {  	[sflag:s8] =	ssyncset.done $0x0  }
0x48: {  	[sflag:s8] =	ssyncadd.s32 $0xFFFFFB18  }
0x49: {  	[tilespmem:s6], [sflag:$0x1] =	stream.linear.gather [hbm4b:s11+s6], $0xA00, $0x38;
	[tilespmem:$0x1A280] =	vst v63  }
0x4a: {  	_ =	swait.ge [sflag:s8], $0xA00  }
0x4b: {  	[sflag:s8] =	ssyncset.done $0x0  }
0x4c: {  	[sflag:s8] =	ssyncadd.s32 $0xFFFFF600  }
0x4d: {  	[tilespmem:s13], [sflag:$0x1] =	stream.linear.gather [hbm4b:s12+s6], $0xA00, $0x38;
	[tilespmem:$0x1A280] =	vst v63  }
0x4e: {  	_ =	swait.ge [sflag:s8], $0xA00  }
0x4f: {  	[sflag:s8] =	ssyncset.done $0x0  }
0x50: {  	[sflag:s8] =	ssyncadd.s32 $0xFFFFF600  }
0x51: {  	[tilespmem:s14], [sflag:$0x1] =	stream.linear.gather [hbm4b:s2+s6], $0xA000, $0x38;
	[tilespmem:$0x1A280] =	vst v63  }
0x52: {  	_ =	swait.ge [sflag:s8], $0xA000  }
0x53: {  	[sflag:s8] =	ssyncset.done $0x0  }
0x54: {  	[sflag:s8] =	ssyncadd.s32 $0xFFFF6000  }
0x55: {  	[bflag:$0x0] =	sbarrier.arrive $0xFFFF  }
0x56: {  	[tilespmem:s16], [sflag:$0x1] =	stream.linear.gather [hbm4b:s15+s6], $0xA000, $0x38;
	[tilespmem:$0x1A280] =	vst v63  }
0x57: {  	_ =	swait.ge [sflag:s8], $0xA000  }
0x58: {  	[sflag:s8] =	ssyncset.done $0x0  }
0x59: {  	[sflag:s8] =	ssyncadd.s32 $0xFFFF6000  }
0x5a: {  	[spmem:s4] =	stream.indirect.scatter.add.f32 [tilespmem:s16], [sflag:$0x1], $0x10, s6, s13, $0xb8;
	[tilespmem:$0x1A280] =	vst v63  }
0x5b: {  	_ =	swait.ge [sflag:s8], $0xA000  }
0x5c: {  	[sflag:s8] =	ssyncset.done $0x0  }
0x5d: {  	[sflag:s8] =	ssyncadd.s32 $0xFFFF6000  }
0x5e: {  	[tilespmem:s16], [sflag:$0x1] =	stream.linear.gather [hbm4b:s17+s6], $0xA000, $0x38;
	[tilespmem:$0x1A280] =	vst v63  }
0x5f: {  	_ =	swait.ge [sflag:s8], $0xA000  }
0x60: {  	[sflag:s8] =	ssyncset.done $0x0  }
0x61: {  	[sflag:s8] =	ssyncadd.s32 $0xFFFF6000  }
0x62: {  	[spmem:s4] =	stream.indirect.scatter.add.f32 [tilespmem:s16], [sflag:$0x1], $0x10, s13, s13, $0xb8;
	[tilespmem:$0x1A280] =	vst v63  }
0x63: {  	_ =	swait.ge [sflag:s8], $0xA000  }
0x64: {  	[sflag:s8] =	ssyncset.done $0x0  }
0x65: {  	[sflag:s8] =	ssyncadd.s32 $0xFFFF6000  }
0x66: {  	[spmem:s5] =	stream.indirect.scatter.add.f32 [tilespmem:s14], [sflag:$0x1], $0x10, s6, s13, $0xb8;
	[tilespmem:$0x1A280] =	vst v63  }
0x67: {  	_ =	swait.ge [sflag:s8], $0xA000  }
0x68: {  	[sflag:s8] =	ssyncset.done $0x0  }
0x69: {  	[sflag:s8] =	ssyncadd.s32 $0xFFFF6000  }
0x6a: {  	[spmem:s5] =	stream.indirect.scatter.add.f32 [tilespmem:s14], [sflag:$0x1], $0x10, s13, s13, $0xb8;
	[tilespmem:$0x1A280] =	vst v63  }
0x6b: {  	_ =	swait.ge [sflag:s8], $0xA000  }
0x6c: {  	[sflag:s8] =	ssyncset.done $0x0  }
0x6d: {  	[sflag:s8] =	ssyncadd.s32 $0xFFFF6000  }
0x6e: {  	[bflag:$0x0] =	sbarrier.arrive $0xFFFF  }
0x6f: {  	[hbm:s18], [sflag:s7] =	dma.local [spmem:s19], $0x4E2  }
0x70: {  	_ =	swait.ge [sflag:s8], $0x4E2  }
.Ltmp1:
0x71: {  	[sflag:s8] =	ssyncset.done $0x0;
	(pc) =	sbr.rel @p0 .LBB2_1-.Ltmp1, $4  }
0x72: {  	[sflag:s8] =	ssyncadd.s32 $0xFFFFFB1E  }
0x73: {  	[hbm:s20], [sflag:s7] =	dma.local [spmem:s21], $0x4E2  }
0x74: {  	_ =	swait.ge [sflag:s8], $0x4E2  }
0x75: {  	[sflag:s8] =	ssyncset.done $0x0  }
.LBB2_2:
0x76: {  	[sflag:s8] =	ssyncadd.s32 $0xFFFFFB1E  }
0x77: {  	_ =	sfence.sel $0x180000  }
0x78: {  	[bflag:$0x0] =	sbarrier.arrive $0xFFFF  }
0x79: {  	p0 =	sne.s32 s3, $0x0;
	_ =	strace $0x9000004A  }
0x7a: {  	s0 =	sadd.s32 @!p0 $0x100000, s0;
	[bflag:$0x2] =	sbarrier.arrive $0xFFFF  }
0x7b: {  	[sflag:s0] =	ssyncadd.tile.s32 @!p0 $0x1;
	_ =	shalt  }
.Lfunc_end2:
_tile_overlayer_lowered:
.L_overlay_start_2:
0x7c: {  	(tag) =	ssettag $0x2  }
0x7d: {  	s0 =	rddreg [dreg:$0x0];
	s2 =	stileid.u32  }
0x7e: {  	s1 =	rddreg [dreg:$0x1];
	p0 =	sne.s32 s2, $0x0  }
0x7f: {  	s3 =	rddreg [dreg:$0x2];
	[bflag:$0x3] =	sbarrier.arrive $0xFFFF;
	s2 =	simm.s32 @!p0 $0x1C01  }
0x80: {  	[timem:s3], [sflag:s2] =	dma.local @!p0 [hbm:s0], s1  }
0x81: {  	s0 =	simm.s32 @!p0 $0x1  }
0x82: {  	_ =	swait.ge @!p0 [sflag:s0], s1  }
0x83: {  	s1 =	ssub.s32 @!p0 $0x0, s1;
	[sflag:s0] =	ssyncset.done @!p0 $0x0  }
0x84: {  	[sflag:s0] =	ssyncadd.s32 @!p0 s1  }
0x85: {  	[bflag:$0x3] =	sbarrier.arrive $0xFFFF  }
0x86: {  	_ =	shalt  }

</sc_bundles>
